<compile_context>
chip_gen: v7x
topology: tpu7x:2x2x1
jax: 0.10.2.dev20260603
libtpu: 0.0.44.dev20260713+nightly
codegen_flags: <defaults>
</compile_context>

<pallas_src>
import functools

import jax
import jax.numpy as jnp
from jax import lax
from jax.experimental import pallas as pl
from jax.experimental.pallas import tpu as pltpu
from jax.experimental.pallas import tpu_sc as plsc

N = 10000
N2 = 10240
E = 320000
D = 128
G = 64

NC = 2
NS = 16
NW = NC * NS
PER_W = E // NW
CH = 80
NCHUNK = PER_W // CH
SUB = 1
CHG = CH * SUB
NCG = PER_W // CHG
RPS = N2 // NS
ZR = 128

_mesh = plsc.VectorSubcoreMesh(core_axis_name="c", subcore_axis_name="s")


NRING = 3
NT = (NCG - 5) // NRING


def _deg_body(dst_h, zeros_h, out_h, id0, id1, id2, ones_v, acc_sh,
              si0, si1, si2, ss0, ss1, ss2):
    c = lax.axis_index("c")
    s = lax.axis_index("s")
    wid = s * NC + c
    base = wid * PER_W
    sem_i = (si0, si1, si2)
    sem_s = (ss0, ss1, ss2)
    idxd = (id0, id1, id2)

    def fill_ones(i, _):
        ones_v[i, :] = jnp.ones((16,), jnp.float32)
        return 0

    lax.fori_loop(0, CH, fill_ones, 0)
    pltpu.async_copy(zeros_h, acc_sh.at[pl.ds(s * RPS, RPS)], ss0)
    pltpu.make_async_copy(zeros_h, acc_sh.at[pl.ds(s * RPS, RPS)], ss0).wait()
    plsc.subcore_barrier()

    def pre(j, b):
        pltpu.async_copy(dst_h.at[pl.ds(base + j * CH, CH)], idxd[b].at[0],
                         sem_i[b])

    def iwait(b):
        pltpu.make_async_copy(dst_h.at[pl.ds(base, CH)], idxd[b].at[0],
                              sem_i[b]).wait()

    def sfire(b):
        return pltpu.async_copy(ones_v, acc_sh.at[idxd[b].at[0]], sem_s[b],
                                add=True)

    for b in range(NRING):
        pre(b, b)
    for b in range(NRING):
        iwait(b)

    def body(t, _):
        j = NRING * t
        sd = [sfire(b) for b in range(NRING)]
        for b in range(NRING):
            sd[b].wait()
            pre(j + NRING + b, b)
        for b in range(NRING):
            iwait(b)
        return 0

    lax.fori_loop(0, NT, body, 0)
    j = NRING * NT
    sd = [sfire(b) for b in range(NRING)]
    sd[0].wait()
    pre(j + 3, 0)
    iwait(0)
    s0 = sfire(0)
    sd[1].wait()
    pre(j + 4, 1)
    iwait(1)
    s1 = sfire(1)
    sd[2].wait()
    s0.wait()
    s1.wait()
    plsc.subcore_barrier()
    pltpu.sync_copy(acc_sh.at[pl.ds(s * RPS, RPS)],
                    out_h.at[c, pl.ds(s * RPS, RPS)])


@jax.jit
def _deg_call(dst, zeros16):
    f = functools.partial(
        pl.kernel,
        out_type=jax.ShapeDtypeStruct((NC, N2, 16), jnp.float32),
        mesh=_mesh,
        scratch_types=[
            pltpu.VMEM((1, CH), jnp.int32),
            pltpu.VMEM((1, CH), jnp.int32),
            pltpu.VMEM((1, CH), jnp.int32),
            pltpu.VMEM((CH, 16), jnp.float32),
            pltpu.VMEM_SHARED((N2, 16), jnp.float32),
        ] + [pltpu.SemaphoreType.DMA] * 6,
    )(_deg_body)
    return f(dst, zeros16)


def _prop_body(src_h, dst_h, tab_h, zeros_h, out_h, is0, is1, is2,
               id0, id1, id2, rows_v, acc_sh,
               sg0, sg1, sg2, si0, si1, si2, ss0, ss1, ss2):
    c = lax.axis_index("c")
    s = lax.axis_index("s")
    wid = s * NC + c
    base = wid * PER_W
    sem_g = (sg0, sg1, sg2)
    sem_i = (si0, si1, si2)
    sem_s = (ss0, ss1, ss2)
    idxs = (is0, is1, is2)
    idxd = (id0, id1, id2)

    for k in range(RPS // ZR):
        pltpu.async_copy(zeros_h, acc_sh.at[pl.ds(s * RPS + k * ZR, ZR)], ss0)
    for k in range(RPS // ZR):
        pltpu.make_async_copy(zeros_h, acc_sh.at[pl.ds(s * RPS, ZR)],
                              ss0).wait()
    plsc.subcore_barrier()

    def pre(j, b):
        pltpu.async_copy(dst_h.at[pl.ds(base + j * CH, CH)], idxd[b].at[0],
                         sem_i[b])
        pltpu.async_copy(src_h.at[pl.ds(base + j * CH, CH)], idxs[b].at[0],
                         sem_i[b])

    def iwait(b):
        pltpu.make_async_copy(dst_h.at[pl.ds(base, CH)], idxd[b].at[0],
                              sem_i[b]).wait()
        pltpu.make_async_copy(dst_h.at[pl.ds(base, CH)], idxs[b].at[0],
                              sem_i[b]).wait()

    def gfire(b):
        return pltpu.async_copy(tab_h.at[idxs[b].at[0]], rows_v.at[b],
                                sem_g[b])

    def sfire(b):
        return pltpu.async_copy(rows_v.at[b], acc_sh.at[idxd[b].at[0]],
                                sem_s[b], add=True)

    for b in range(NRING):
        pre(b, b)
    for b in range(NRING):
        iwait(b)

    def body(t, _):
        j = NRING * t
        gd = [gfire(b) for b in range(NRING)]
        sd = []
        for b in range(NRING):
            gd[b].wait()
            sd.append(sfire(b))
        for b in range(NRING):
            sd[b].wait()
            pre(j + NRING + b, b)
        for b in range(NRING):
            iwait(b)
        return 0

    lax.fori_loop(0, NT, body, 0)
    j = NRING * NT
    gd = [gfire(b) for b in range(NRING)]
    sd = []
    for b in range(NRING):
        gd[b].wait()
        sd.append(sfire(b))
    sd[0].wait()
    pre(j + 3, 0)
    iwait(0)
    g0 = gfire(0)
    sd[1].wait()
    pre(j + 4, 1)
    iwait(1)
    g1 = gfire(1)
    g0.wait()
    s0 = sfire(0)
    g1.wait()
    s1 = sfire(1)
    sd[2].wait()
    s0.wait()
    s1.wait()
    plsc.subcore_barrier()
    pltpu.sync_copy(acc_sh.at[pl.ds(s * RPS, RPS)],
                    out_h.at[c, pl.ds(s * RPS, RPS)])


@jax.jit
def _prop_call(src, dst, table, zeros):
    f = functools.partial(
        pl.kernel,
        out_type=jax.ShapeDtypeStruct((NC, N2, D), jnp.float32),
        mesh=_mesh,
        scratch_types=(
            [pltpu.VMEM((1, CH), jnp.int32) for _ in range(6)] + [
                pltpu.VMEM((NRING, CH, D), jnp.float32),
                pltpu.VMEM_SHARED((N2, D), jnp.float32),
            ] + [pltpu.SemaphoreType.DMA] * 9
        ),
    )(_prop_body)
    return f(src, dst, table, zeros)


R_BLK = 2048
N_BLK = N2 // R_BLK


def _dinv_from_degp(degp_blk):
    deg = degp_blk[0, :, 0] + degp_blk[1, :, 0] + 1.0
    return lax.rsqrt(deg)


def _scale_body(x_ref, w_ref, degp_ref, out_ref):
    h = jnp.dot(x_ref[...], w_ref[...], preferred_element_type=jnp.float32)
    dinv = _dinv_from_degp(degp_ref[...])
    out_ref[...] = h * dinv[:, None]


@jax.jit
def _scale_call(x, W1, degP):
    return pl.pallas_call(
        _scale_body,
        grid=(N_BLK,),
        in_specs=[
            pl.BlockSpec((R_BLK, D), lambda i: (i, 0)),
            pl.BlockSpec((D, D), lambda i: (0, 0)),
            pl.BlockSpec((NC, R_BLK, 16), lambda i: (0, i, 0)),
        ],
        out_specs=pl.BlockSpec((R_BLK, D), lambda i: (i, 0)),
        out_shape=jax.ShapeDtypeStruct((N2, D), jnp.float32),
    )(x, W1, degP)


def _relu_body(p_ref, hp_ref, degp_ref, b1_ref, out_ref):
    dinv = _dinv_from_degp(degp_ref[...])
    agg = dinv[:, None] * (p_ref[0] + p_ref[1] + hp_ref[...]) + b1_ref[...]
    out_ref[...] = jnp.maximum(agg, 0.0) * dinv[:, None]


@jax.jit
def _relu_call(P, h1p, degP, b1):
    return pl.pallas_call(
        _relu_body,
        grid=(N_BLK,),
        in_specs=[
            pl.BlockSpec((NC, R_BLK, D), lambda i: (0, i, 0)),
            pl.BlockSpec((R_BLK, D), lambda i: (i, 0)),
            pl.BlockSpec((NC, R_BLK, 16), lambda i: (0, i, 0)),
            pl.BlockSpec((1, D), lambda i: (0, 0)),
        ],
        out_specs=pl.BlockSpec((R_BLK, D), lambda i: (i, 0)),
        out_shape=jax.ShapeDtypeStruct((N2, D), jnp.float32),
    )(P, h1p, degP, b1.reshape(1, D))


def _pool_body(q_ref, hp_ref, degp_ref, batch_ref, w2_ref, b2_ref, out_ref,
               acc_s, cnt_s):
    i = pl.program_id(0)

    @pl.when(i == 0)
    def _():
        acc_s[...] = jnp.zeros((G, D), jnp.float32)
        cnt_s[...] = jnp.zeros((G, D), jnp.float32)

    dinv = _dinv_from_degp(degp_ref[...])
    u = dinv[:, None] * (q_ref[0] + q_ref[1] + hp_ref[...])
    b = batch_ref[0, 0, :]
    onehot_t = (b[None, :] == lax.broadcasted_iota(jnp.int32, (G, R_BLK), 0))
    onehot_t = onehot_t.astype(jnp.float32)
    acc_s[...] += jnp.dot(onehot_t, u, preferred_element_type=jnp.float32)
    cnt_s[...] += jnp.dot(onehot_t, jnp.ones((R_BLK, D), jnp.float32),
                          preferred_element_type=jnp.float32)

    @pl.when(i == N_BLK - 1)
    def _():
        mean = acc_s[...] / jnp.maximum(cnt_s[...], 1.0)
        out_ref[...] = (jnp.dot(mean, w2_ref[...],
                                preferred_element_type=jnp.float32)
                        + b2_ref[...])


@jax.jit
def _pool_call(Q, h2p, degP, batch3, W2, b2):
    return pl.pallas_call(
        _pool_body,
        grid=(N_BLK,),
        in_specs=[
            pl.BlockSpec((NC, R_BLK, D), lambda i: (0, i, 0)),
            pl.BlockSpec((R_BLK, D), lambda i: (i, 0)),
            pl.BlockSpec((NC, R_BLK, 16), lambda i: (0, i, 0)),
            pl.BlockSpec((1, 1, R_BLK), lambda i: (i, 0, 0)),
            pl.BlockSpec((D, D), lambda i: (0, 0)),
            pl.BlockSpec((1, D), lambda i: (0, 0)),
        ],
        out_specs=pl.BlockSpec((G, D), lambda i: (0, 0)),
        out_shape=jax.ShapeDtypeStruct((G, D), jnp.float32),
        scratch_shapes=[
            pltpu.VMEM((G, D), jnp.float32),
            pltpu.VMEM((G, D), jnp.float32),
        ],
    )(Q, h2p, degP, batch3, W2, b2.reshape(1, D))


def kernel(x, edge_index, batch, W1, b1, W2, b2):
    zeros = jnp.zeros((ZR, D), jnp.float32)
    zeros16 = jnp.zeros((RPS, 16), jnp.float32)
    src = edge_index[0]
    dst = edge_index[1]
    x_pad = jnp.pad(x, ((0, N2 - N), (0, 0)))
    batch_pad = jnp.pad(batch, (0, N2 - N), constant_values=G)
    degP = _deg_call(dst, zeros16)
    h1p = _scale_call(x_pad, W1, degP)
    P = _prop_call(src, dst, h1p, zeros)
    h2p = _relu_call(P, h1p, degP, b1)
    Q = _prop_call(src, dst, h2p, zeros)
    batch3 = batch_pad.reshape(N_BLK, 1, R_BLK)
    return _pool_call(Q, h2p, degP, batch3, W2, b2)

# --- scband reference (transcript-rebuilt; emitter-appended) ---
"""Pipeline reference for scband-graph2-vec-40948218200427 (READ-ONLY COPY).

The authoritative reference and input builder live on the scoring server;
editing this copy changes nothing except your own understanding.
"""

import jax, jax.numpy as jnp
import numpy as np

N = 10000
E = 320000
D_IN = 128
D_HID = 128
D_OUT = 128
NUM_GRAPHS = 64


def setup_inputs(seed: int = 0) -> dict:
    key = jax.random.key(seed)
    k1, k2, k3, k4, k5 = jax.random.split(key, 5)
    x = jax.random.normal(k1, (N, D_IN), dtype=jnp.float32)
    edge_index = jax.random.randint(k2, (2, E), 0, N, dtype=jnp.int32)
    batch = jnp.sort(jax.random.randint(k3, (N,), 0, NUM_GRAPHS, dtype=jnp.int32))
    W1 = jax.random.normal(k4, (D_IN, D_HID), dtype=jnp.float32) * (1.0 / np.sqrt(D_IN))
    b1 = jnp.zeros((D_HID,), dtype=jnp.float32)
    W2 = jax.random.normal(k5, (D_HID, D_OUT), dtype=jnp.float32) * (1.0 / np.sqrt(D_HID))
    b2 = jnp.zeros((D_OUT,), dtype=jnp.float32)
    return {"x": x, "edge_index": edge_index, "batch": batch, "W1": W1, "b1": b1, "W2": W2, "b2": b2}


def _gcn_conv(x, edge_index, W, b, num_nodes):
    # PyG GCNConv: add self-loops, symmetric normalization D^-1/2 (A+I) D^-1/2 X W + b
    src = edge_index[0]
    dst = edge_index[1]
    loop = jnp.arange(num_nodes, dtype=src.dtype)
    src2 = jnp.concatenate([src, loop])
    dst2 = jnp.concatenate([dst, loop])
    deg = jax.ops.segment_sum(jnp.ones_like(src2, dtype=x.dtype), dst2, num_segments=num_nodes)
    dinv = jnp.where(deg > 0, 1.0 / jnp.sqrt(deg), 0.0)
    norm = dinv[src2] * dinv[dst2]
    h = x @ W
    msg = jnp.take(h, src2, axis=0) * norm[:, None]
    agg = jax.ops.segment_sum(msg, dst2, num_segments=num_nodes)
    return agg + b


def reference(x, edge_index, batch, W1, b1, W2, b2):
    h = _gcn_conv(x, edge_index, W1, b1, N)
    h = jax.nn.relu(h)
    h = _gcn_conv(h, edge_index, W2, b2, N)
    # global mean pool over graph segment ids
    sums = jax.ops.segment_sum(h, batch, num_segments=NUM_GRAPHS)
    counts = jax.ops.segment_sum(jnp.ones((N,), dtype=h.dtype), batch, num_segments=NUM_GRAPHS)
    graph_embedding = sums / jnp.maximum(counts, 1.0)[:, None]
    return graph_embedding

if __name__ == "__main__":
    import jax
    _d = setup_inputs()
    print(jax.jit(kernel)(*tuple(_d.values())))

</pallas_src>

<mosaic_0001>
#map = affine_map<(d0, d1) -> (0)>
#map1 = affine_map<(d0, d1) -> (0, 0)>
#map2 = affine_map<(d0, d1) -> (0, 0, 0)>
module attributes {stable_mosaic.version = 14 : i64} {
  func.func @_deg_body(%arg0: i32, %arg1: i32, %arg2: memref<320000xi32, #tpu.memory_space<hbm>>, %arg3: memref<640x16xf32, #tpu.memory_space<hbm>>, %arg4: memref<2x10240x16xf32, #tpu.memory_space<hbm>>, %arg5: memref<1x80xi32, #tpu.memory_space<vmem>>, %arg6: memref<1x80xi32, #tpu.memory_space<vmem>>, %arg7: memref<1x80xi32, #tpu.memory_space<vmem>>, %arg8: memref<80x16xf32, #tpu.memory_space<vmem>>, %arg9: memref<10240x16xf32, #tpu.memory_space<vmem_shared>>, %arg10: memref<!tpu.dma_semaphore, #tpu.memory_space<semaphore_mem>>, %arg11: memref<!tpu.dma_semaphore, #tpu.memory_space<semaphore_mem>>, %arg12: memref<!tpu.dma_semaphore, #tpu.memory_space<semaphore_mem>>, %arg13: memref<!tpu.dma_semaphore, #tpu.memory_space<semaphore_mem>>, %arg14: memref<!tpu.dma_semaphore, #tpu.memory_space<semaphore_mem>>, %arg15: memref<!tpu.dma_semaphore, #tpu.memory_space<semaphore_mem>>) attributes {dimension_semantics = [#tpu.dimension_semantics<core_parallel>, #tpu.dimension_semantics<subcore_parallel>], iteration_bounds = array<i64: 2, 16>, scalar_prefetch = 0 : i64, scratch_operands = 11 : i64, tpu.core_type = #tpu.core_type<sc_vector_subcore>, window_params = [{transform_indices = #map}, {transform_indices = #map1}, {transform_indices = #map2}]} {
    %mul3A = arith.constant 2 : i32
    %mul3A_0 = arith.muli %arg1, %mul3A : i32
    %add3A = arith.addi %mul3A_0, %arg0 : i32
    %mul3A_1 = arith.constant 10000 : i32
    %mul3A_2 = arith.muli %add3A, %mul3A_1 : i32
    %scan3A = arith.constant 0 : i32
    %scan3A_3 = arith.constant 0 : i32
    %scan3A_4 = arith.constant 80 : i32
    %scan3A_5 = arith.addi %scan3A_3, %scan3A_4 : i32
    %scan3A_6 = arith.constant 1 : i32
    %scan3A_7 = scf.for %scan3A_197 = %scan3A_3 to %scan3A_5 step %scan3A_6 iter_args(%scan3A_198 = %scan3A) -> (i32)  : i32 {
      %broadcast_in_dim3A = arith.constant 1.000000e+00 : f32
      %broadcast_in_dim3A_199 = vector.broadcast %broadcast_in_dim3A : f32 to vector<16xf32>
      %swap3A = arith.index_cast %scan3A_197 : i32 to index
      %swap3A_200 = arith.constant 0 : index
      %swap3A_201 = tpu.vector_load %arg8[%swap3A, %swap3A_200] {strides = array<i32>} : memref<80x16xf32, #tpu.memory_space<vmem>>, vector<1x16xf32>,
      %swap3A_202 = vector.shape_cast %swap3A_201 : vector<1x16xf32> to vector<16xf32>
      %swap3A_203 = vector.shape_cast %broadcast_in_dim3A_199 : vector<16xf32> to vector<1x16xf32>
      tpu.vector_store %arg8[%swap3A, %swap3A_200], %swap3A_203 {strides = array<i32>} : memref<80x16xf32, #tpu.memory_space<vmem>>, vector<1x16xf32>,
      %scan3A_204 = arith.constant 0 : i32
      scf.yield %scan3A_204 : i32
    }
    %scan3A_8 = arith.constant 80 : i32
    %mul3A_9 = arith.constant 640 : i32
    %mul3A_10 = arith.muli %arg1, %mul3A_9 : i32
    %dma_start3A = arith.constant 0 : i32
    %dma_start3A_11 = tpu.memref_slice %arg9[%mul3A_10, %dma_start3A] : memref<10240x16xf32, #tpu.memory_space<vmem_shared>> -> memref<640x16xf32, #tpu.memory_space<vmem_shared>>
    tpu.enqueue_dma source(%arg3 : memref<640x16xf32, #tpu.memory_space<hbm>>) target(%dma_start3A_11 : memref<640x16xf32, #tpu.memory_space<vmem_shared>>) target_semaphore(%arg13 : memref<!tpu.dma_semaphore, #tpu.memory_space<semaphore_mem>>)
    %mul3A_12 = arith.constant 640 : i32
    %mul3A_13 = arith.muli %arg1, %mul3A_12 : i32
    %dma_wait3A = arith.constant 0 : i32
    %dma_wait3A_14 = tpu.memref_slice %arg9[%mul3A_13, %dma_wait3A] : memref<10240x16xf32, #tpu.memory_space<vmem_shared>> -> memref<640x16xf32, #tpu.memory_space<vmem_shared>>
    tpu.wait_dma2 semaphore(%arg13 : memref<!tpu.dma_semaphore, #tpu.memory_space<semaphore_mem>>) src(%arg3 : memref<640x16xf32, #tpu.memory_space<hbm>>) dst(%dma_wait3A_14 : memref<640x16xf32, #tpu.memory_space<vmem_shared>>)
    %barrier3A = arith.constant 0 : index
    tpu.barrier barrier_id(%barrier3A)
    %add3A_15 = arith.constant 0 : i32
    %add3A_16 = arith.addi %mul3A_2, %add3A_15 : i32
    %dma_start3A_17 = arith.constant 0 : i32
    %dma_start3A_18 = arith.constant 0 : i32
    %dma_start3A_19 = tpu.memref_slice %arg5[%dma_start3A_17, %dma_start3A_18] : memref<1x80xi32, #tpu.memory_space<vmem>> -> memref<1x80xi32, #tpu.memory_space<vmem>>
    %dma_start3A_20 = tpu.memref_squeeze %dma_start3A_19 : memref<1x80xi32, #tpu.memory_space<vmem>> -> memref<80xi32, #tpu.memory_space<vmem>>
    %dma_start3A_21 = tpu.memref_slice %arg2[%add3A_16] : memref<320000xi32, #tpu.memory_space<hbm>> -> memref<80xi32, #tpu.memory_space<hbm>>
    %dma_start3A_22 = arith.constant 0 : i32
    %dma_start3A_23 = tpu.memref_slice %arg5[%dma_start3A_17, %dma_start3A_22] : memref<1x80xi32, #tpu.memory_space<vmem>> -> memref<1x80xi32, #tpu.memory_space<vmem>>
    %dma_start3A_24 = tpu.memref_squeeze %dma_start3A_23 : memref<1x80xi32, #tpu.memory_space<vmem>> -> memref<80xi32, #tpu.memory_space<vmem>>
    %dma_start3A_25 = tpu.memref_slice %arg2[%add3A_16] : memref<320000xi32, #tpu.memory_space<hbm>> -> memref<80xi32, #tpu.memory_space<hbm>>
    tpu.enqueue_dma source(%dma_start3A_25 : memref<80xi32, #tpu.memory_space<hbm>>) target(%dma_start3A_24 : memref<80xi32, #tpu.memory_space<vmem>>) target_semaphore(%arg10 : memref<!tpu.dma_semaphore, #tpu.memory_space<semaphore_mem>>)
    %add3A_26 = arith.constant 80 : i32
    %add3A_27 = arith.addi %mul3A_2, %add3A_26 : i32
    %dma_start3A_28 = arith.constant 0 : i32
    %dma_start3A_29 = arith.constant 0 : i32
    %dma_start3A_30 = tpu.memref_slice %arg6[%dma_start3A_28, %dma_start3A_29] : memref<1x80xi32, #tpu.memory_space<vmem>> -> memref<1x80xi32, #tpu.memory_space<vmem>>
    %dma_start3A_31 = tpu.memref_squeeze %dma_start3A_30 : memref<1x80xi32, #tpu.memory_space<vmem>> -> memref<80xi32, #tpu.memory_space<vmem>>
    %dma_start3A_32 = tpu.memref_slice %arg2[%add3A_27] : memref<320000xi32, #tpu.memory_space<hbm>> -> memref<80xi32, #tpu.memory_space<hbm>>
    %dma_start3A_33 = arith.constant 0 : i32
    %dma_start3A_34 = tpu.memref_slice %arg6[%dma_start3A_28, %dma_start3A_33] : memref<1x80xi32, #tpu.memory_space<vmem>> -> memref<1x80xi32, #tpu.memory_space<vmem>>
    %dma_start3A_35 = tpu.memref_squeeze %dma_start3A_34 : memref<1x80xi32, #tpu.memory_space<vmem>> -> memref<80xi32, #tpu.memory_space<vmem>>
    %dma_start3A_36 = tpu.memref_slice %arg2[%add3A_27] : memref<320000xi32, #tpu.memory_space<hbm>> -> memref<80xi32, #tpu.memory_space<hbm>>
    tpu.enqueue_dma source(%dma_start3A_36 : memref<80xi32, #tpu.memory_space<hbm>>) target(%dma_start3A_35 : memref<80xi32, #tpu.memory_space<vmem>>) target_semaphore(%arg11 : memref<!tpu.dma_semaphore, #tpu.memory_space<semaphore_mem>>)
    %add3A_37 = arith.constant 160 : i32
    %add3A_38 = arith.addi %mul3A_2, %add3A_37 : i32
    %dma_start3A_39 = arith.constant 0 : i32
    %dma_start3A_40 = arith.constant 0 : i32
    %dma_start3A_41 = tpu.memref_slice %arg7[%dma_start3A_39, %dma_start3A_40] : memref<1x80xi32, #tpu.memory_space<vmem>> -> memref<1x80xi32, #tpu.memory_space<vmem>>
    %dma_start3A_42 = tpu.memref_squeeze %dma_start3A_41 : memref<1x80xi32, #tpu.memory_space<vmem>> -> memref<80xi32, #tpu.memory_space<vmem>>
    %dma_start3A_43 = tpu.memref_slice %arg2[%add3A_38] : memref<320000xi32, #tpu.memory_space<hbm>> -> memref<80xi32, #tpu.memory_space<hbm>>
    %dma_start3A_44 = arith.constant 0 : i32
    %dma_start3A_45 = tpu.memref_slice %arg7[%dma_start3A_39, %dma_start3A_44] : memref<1x80xi32, #tpu.memory_space<vmem>> -> memref<1x80xi32, #tpu.memory_space<vmem>>
    %dma_start3A_46 = tpu.memref_squeeze %dma_start3A_45 : memref<1x80xi32, #tpu.memory_space<vmem>> -> memref<80xi32, #tpu.memory_space<vmem>>
    %dma_start3A_47 = tpu.memref_slice %arg2[%add3A_38] : memref<320000xi32, #tpu.memory_space<hbm>> -> memref<80xi32, #tpu.memory_space<hbm>>
    tpu.enqueue_dma source(%dma_start3A_47 : memref<80xi32, #tpu.memory_space<hbm>>) target(%dma_start3A_46 : memref<80xi32, #tpu.memory_space<vmem>>) target_semaphore(%arg12 : memref<!tpu.dma_semaphore, #tpu.memory_space<semaphore_mem>>)
    %dma_wait3A_48 = arith.constant 0 : i32
    %dma_wait3A_49 = arith.constant 0 : i32
    %dma_wait3A_50 = tpu.memref_slice %arg5[%dma_wait3A_48, %dma_wait3A_49] : memref<1x80xi32, #tpu.memory_space<vmem>> -> memref<1x80xi32, #tpu.memory_space<vmem>>
    %dma_wait3A_51 = tpu.memref_squeeze %dma_wait3A_50 : memref<1x80xi32, #tpu.memory_space<vmem>> -> memref<80xi32, #tpu.memory_space<vmem>>
    %dma_wait3A_52 = tpu.memref_slice %arg2[%mul3A_2] : memref<320000xi32, #tpu.memory_space<hbm>> -> memref<80xi32, #tpu.memory_space<hbm>>
    %dma_wait3A_53 = arith.constant 0 : i32
    %dma_wait3A_54 = tpu.memref_slice %arg5[%dma_wait3A_48, %dma_wait3A_53] : memref<1x80xi32, #tpu.memory_space<vmem>> -> memref<1x80xi32, #tpu.memory_space<vmem>>
    %dma_wait3A_55 = tpu.memref_squeeze %dma_wait3A_54 : memref<1x80xi32, #tpu.memory_space<vmem>> -> memref<80xi32, #tpu.memory_space<vmem>>
    %dma_wait3A_56 = tpu.memref_slice %arg2[%mul3A_2] : memref<320000xi32, #tpu.memory_space<hbm>> -> memref<80xi32, #tpu.memory_space<hbm>>
    tpu.wait_dma2 semaphore(%arg10 : memref<!tpu.dma_semaphore, #tpu.memory_space<semaphore_mem>>) src(%dma_wait3A_56 : memref<80xi32, #tpu.memory_space<hbm>>) dst(%dma_wait3A_55 : memref<80xi32, #tpu.memory_space<vmem>>)
    %dma_wait3A_57 = arith.constant 0 : i32
    %dma_wait3A_58 = arith.constant 0 : i32
    %dma_wait3A_59 = tpu.memref_slice %arg6[%dma_wait3A_57, %dma_wait3A_58] : memref<1x80xi32, #tpu.memory_space<vmem>> -> memref<1x80xi32, #tpu.memory_space<vmem>>
    %dma_wait3A_60 = tpu.memref_squeeze %dma_wait3A_59 : memref<1x80xi32, #tpu.memory_space<vmem>> -> memref<80xi32, #tpu.memory_space<vmem>>
    %dma_wait3A_61 = tpu.memref_slice %arg2[%mul3A_2] : memref<320000xi32, #tpu.memory_space<hbm>> -> memref<80xi32, #tpu.memory_space<hbm>>
    %dma_wait3A_62 = arith.constant 0 : i32
    %dma_wait3A_63 = tpu.memref_slice %arg6[%dma_wait3A_57, %dma_wait3A_62] : memref<1x80xi32, #tpu.memory_space<vmem>> -> memref<1x80xi32, #tpu.memory_space<vmem>>
    %dma_wait3A_64 = tpu.memref_squeeze %dma_wait3A_63 : memref<1x80xi32, #tpu.memory_space<vmem>> -> memref<80xi32, #tpu.memory_space<vmem>>
    %dma_wait3A_65 = tpu.memref_slice %arg2[%mul3A_2] : memref<320000xi32, #tpu.memory_space<hbm>> -> memref<80xi32, #tpu.memory_space<hbm>>
    tpu.wait_dma2 semaphore(%arg11 : memref<!tpu.dma_semaphore, #tpu.memory_space<semaphore_mem>>) src(%dma_wait3A_65 : memref<80xi32, #tpu.memory_space<hbm>>) dst(%dma_wait3A_64 : memref<80xi32, #tpu.memory_space<vmem>>)
    %dma_wait3A_66 = arith.constant 0 : i32
    %dma_wait3A_67 = arith.constant 0 : i32
    %dma_wait3A_68 = tpu.memref_slice %arg7[%dma_wait3A_66, %dma_wait3A_67] : memref<1x80xi32, #tpu.memory_space<vmem>> -> memref<1x80xi32, #tpu.memory_space<vmem>>
    %dma_wait3A_69 = tpu.memref_squeeze %dma_wait3A_68 : memref<1x80xi32, #tpu.memory_space<vmem>> -> memref<80xi32, #tpu.memory_space<vmem>>
    %dma_wait3A_70 = tpu.memref_slice %arg2[%mul3A_2] : memref<320000xi32, #tpu.memory_space<hbm>> -> memref<80xi32, #tpu.memory_space<hbm>>
    %dma_wait3A_71 = arith.constant 0 : i32
    %dma_wait3A_72 = tpu.memref_slice %arg7[%dma_wait3A_66, %dma_wait3A_71] : memref<1x80xi32, #tpu.memory_space<vmem>> -> memref<1x80xi32, #tpu.memory_space<vmem>>
    %dma_wait3A_73 = tpu.memref_squeeze %dma_wait3A_72 : memref<1x80xi32, #tpu.memory_space<vmem>> -> memref<80xi32, #tpu.memory_space<vmem>>
    %dma_wait3A_74 = tpu.memref_slice %arg2[%mul3A_2] : memref<320000xi32, #tpu.memory_space<hbm>> -> memref<80xi32, #tpu.memory_space<hbm>>
    tpu.wait_dma2 semaphore(%arg12 : memref<!tpu.dma_semaphore, #tpu.memory_space<semaphore_mem>>) src(%dma_wait3A_74 : memref<80xi32, #tpu.memory_space<hbm>>) dst(%dma_wait3A_73 : memref<80xi32, #tpu.memory_space<vmem>>)
    %scan3A_75 = arith.constant 0 : i32
    %scan3A_76 = arith.constant 0 : i32
    %scan3A_77 = arith.constant 40 : i32
    %scan3A_78 = arith.addi %scan3A_76, %scan3A_77 : i32
    %scan3A_79 = arith.constant 1 : i32
    %scan3A_80 = scf.for %scan3A_197 = %scan3A_76 to %scan3A_78 step %scan3A_79 iter_args(%scan3A_198 = %scan3A_75) -> (i32)  : i32 {
      %mul3A_199 = arith.constant 3 : i32
      %mul3A_200 = arith.muli %mul3A_199, %scan3A_197 : i32
      %dma_start3A_201 = arith.constant 0 : i32
      %dma_start3A_202 = arith.constant 0 : i32
      %dma_start3A_203 = tpu.memref_slice %arg5[%dma_start3A_201, %dma_start3A_202] : memref<1x80xi32, #tpu.memory_space<vmem>> -> memref<1x80xi32, #tpu.memory_space<vmem>>
      %dma_start3A_204 = tpu.memref_squeeze %dma_start3A_203 : memref<1x80xi32, #tpu.memory_space<vmem>> -> memref<80xi32, #tpu.memory_space<vmem>>
      %dma_start3A_205 = arith.constant 0 : i32
      %dma_start3A_206 = arith.constant 0 : i32
      %dma_start3A_207 = tpu.memref_slice %arg9[%dma_start3A_205, %dma_start3A_206] : memref<10240x16xf32, #tpu.memory_space<vmem_shared>> -> memref<10240x16xf32, #tpu.memory_space<vmem_shared>>
      tpu.enqueue_indirect_dma source(%arg8 : memref<80x16xf32, #tpu.memory_space<vmem>>) target(%dma_start3A_207 : memref<10240x16xf32, #tpu.memory_space<vmem_shared>>) offsets(%dma_start3A_204 : memref<80xi32, #tpu.memory_space<vmem>>) semaphore(%arg13 : memref<!tpu.dma_semaphore, #tpu.memory_space<semaphore_mem>>) {add = true}
      %dma_start3A_208 = arith.constant 0 : i32
      %dma_start3A_209 = arith.constant 0 : i32
      %dma_start3A_210 = tpu.memref_slice %arg6[%dma_start3A_208, %dma_start3A_209] : memref<1x80xi32, #tpu.memory_space<vmem>> -> memref<1x80xi32, #tpu.memory_space<vmem>>
      %dma_start3A_211 = tpu.memref_squeeze %dma_start3A_210 : memref<1x80xi32, #tpu.memory_space<vmem>> -> memref<80xi32, #tpu.memory_space<vmem>>
      %dma_start3A_212 = arith.constant 0 : i32
      %dma_start3A_213 = arith.constant 0 : i32
      %dma_start3A_214 = tpu.memref_slice %arg9[%dma_start3A_212, %dma_start3A_213] : memref<10240x16xf32, #tpu.memory_space<vmem_shared>> -> memref<10240x16xf32, #tpu.memory_space<vmem_shared>>
      tpu.enqueue_indirect_dma source(%arg8 : memref<80x16xf32, #tpu.memory_space<vmem>>) target(%dma_start3A_214 : memref<10240x16xf32, #tpu.memory_space<vmem_shared>>) offsets(%dma_start3A_211 : memref<80xi32, #tpu.memory_space<vmem>>) semaphore(%arg14 : memref<!tpu.dma_semaphore, #tpu.memory_space<semaphore_mem>>) {add = true}
      %dma_start3A_215 = arith.constant 0 : i32
      %dma_start3A_216 = arith.constant 0 : i32
      %dma_start3A_217 = tpu.memref_slice %arg7[%dma_start3A_215, %dma_start3A_216] : memref<1x80xi32, #tpu.memory_space<vmem>> -> memref<1x80xi32, #tpu.memory_space<vmem>>
      %dma_start3A_218 = tpu.memref_squeeze %dma_start3A_217 : memref<1x80xi32, #tpu.memory_space<vmem>> -> memref<80xi32, #tpu.memory_space<vmem>>
      %dma_start3A_219 = arith.constant 0 : i32
      %dma_start3A_220 = arith.constant 0 : i32
      %dma_start3A_221 = tpu.memref_slice %arg9[%dma_start3A_219, %dma_start3A_220] : memref<10240x16xf32, #tpu.memory_space<vmem_shared>> -> memref<10240x16xf32, #tpu.memory_space<vmem_shared>>
      tpu.enqueue_indirect_dma source(%arg8 : memref<80x16xf32, #tpu.memory_space<vmem>>) target(%dma_start3A_221 : memref<10240x16xf32, #tpu.memory_space<vmem_shared>>) offsets(%dma_start3A_218 : memref<80xi32, #tpu.memory_space<vmem>>) semaphore(%arg15 : memref<!tpu.dma_semaphore, #tpu.memory_space<semaphore_mem>>) {add = true}
      %dma_wait3A_222 = arith.constant 0 : i32
      %dma_wait3A_223 = arith.constant 0 : i32
      %dma_wait3A_224 = tpu.memref_slice %arg5[%dma_wait3A_222, %dma_wait3A_223] : memref<1x80xi32, #tpu.memory_space<vmem>> -> memref<1x80xi32, #tpu.memory_space<vmem>>
      %dma_wait3A_225 = tpu.memref_squeeze %dma_wait3A_224 : memref<1x80xi32, #tpu.memory_space<vmem>> -> memref<80xi32, #tpu.memory_space<vmem>>
      %dma_wait3A_226 = arith.constant 0 : i32
      %dma_wait3A_227 = arith.constant 0 : i32
      %dma_wait3A_228 = tpu.memref_slice %arg9[%dma_wait3A_226, %dma_wait3A_227] : memref<10240x16xf32, #tpu.memory_space<vmem_shared>> -> memref<10240x16xf32, #tpu.memory_space<vmem_shared>>
      tpu.wait_indirect_dma semaphore(%arg13 : memref<!tpu.dma_semaphore, #tpu.memory_space<semaphore_mem>>) src(%arg8 : memref<80x16xf32, #tpu.memory_space<vmem>>) dst(%dma_wait3A_228 : memref<10240x16xf32, #tpu.memory_space<vmem_shared>>)
      %add3A_229 = arith.constant 3 : i32
      %add3A_230 = arith.addi %mul3A_200, %add3A_229 : i32
      %add3A_231 = arith.constant 0 : i32
      %add3A_232 = arith.addi %add3A_230, %add3A_231 : i32
      %mul3A_233 = arith.constant 80 : i32
      %mul3A_234 = arith.muli %add3A_232, %mul3A_233 : i32
      %add3A_235 = arith.addi %mul3A_2, %mul3A_234 : i32
      %dma_start3A_236 = arith.constant 0 : i32
      %dma_start3A_237 = arith.constant 0 : i32
      %dma_start3A_238 = tpu.memref_slice %arg5[%dma_start3A_236, %dma_start3A_237] : memref<1x80xi32, #tpu.memory_space<vmem>> -> memref<1x80xi32, #tpu.memory_space<vmem>>
      %dma_start3A_239 = tpu.memref_squeeze %dma_start3A_238 : memref<1x80xi32, #tpu.memory_space<vmem>> -> memref<80xi32, #tpu.memory_space<vmem>>
      %dma_start3A_240 = tpu.memref_slice %arg2[%add3A_235] : memref<320000xi32, #tpu.memory_space<hbm>> -> memref<80xi32, #tpu.memory_space<hbm>>
      %dma_start3A_241 = arith.constant 0 : i32
      %dma_start3A_242 = tpu.memref_slice %arg5[%dma_start3A_236, %dma_start3A_241] : memref<1x80xi32, #tpu.memory_space<vmem>> -> memref<1x80xi32, #tpu.memory_space<vmem>>
      %dma_start3A_243 = tpu.memref_squeeze %dma_start3A_242 : memref<1x80xi32, #tpu.memory_space<vmem>> -> memref<80xi32, #tpu.memory_space<vmem>>
      %dma_start3A_244 = tpu.memref_slice %arg2[%add3A_235] : memref<320000xi32, #tpu.memory_space<hbm>> -> memref<80xi32, #tpu.memory_space<hbm>>
      tpu.enqueue_dma source(%dma_start3A_244 : memref<80xi32, #tpu.memory_space<hbm>>) target(%dma_start3A_243 : memref<80xi32, #tpu.memory_space<vmem>>) target_semaphore(%arg10 : memref<!tpu.dma_semaphore, #tpu.memory_space<semaphore_mem>>)
      %dma_wait3A_245 = arith.constant 0 : i32
      %dma_wait3A_246 = arith.constant 0 : i32
      %dma_wait3A_247 = tpu.memref_slice %arg6[%dma_wait3A_245, %dma_wait3A_246] : memref<1x80xi32, #tpu.memory_space<vmem>> -> memref<1x80xi32, #tpu.memory_space<vmem>>
      %dma_wait3A_248 = tpu.memref_squeeze %dma_wait3A_247 : memref<1x80xi32, #tpu.memory_space<vmem>> -> memref<80xi32, #tpu.memory_space<vmem>>
      %dma_wait3A_249 = arith.constant 0 : i32
      %dma_wait3A_250 = arith.constant 0 : i32
      %dma_wait3A_251 = tpu.memref_slice %arg9[%dma_wait3A_249, %dma_wait3A_250] : memref<10240x16xf32, #tpu.memory_space<vmem_shared>> -> memref<10240x16xf32, #tpu.memory_space<vmem_shared>>
      tpu.wait_indirect_dma semaphore(%arg14 : memref<!tpu.dma_semaphore, #tpu.memory_space<semaphore_mem>>) src(%arg8 : memref<80x16xf32, #tpu.memory_space<vmem>>) dst(%dma_wait3A_251 : memref<10240x16xf32, #tpu.memory_space<vmem_shared>>)
      %add3A_252 = arith.constant 3 : i32
      %add3A_253 = arith.addi %mul3A_200, %add3A_252 : i32
      %add3A_254 = arith.constant 1 : i32
      %add3A_255 = arith.addi %add3A_253, %add3A_254 : i32
      %mul3A_256 = arith.constant 80 : i32
      %mul3A_257 = arith.muli %add3A_255, %mul3A_256 : i32
      %add3A_258 = arith.addi %mul3A_2, %mul3A_257 : i32
      %dma_start3A_259 = arith.constant 0 : i32
      %dma_start3A_260 = arith.constant 0 : i32
      %dma_start3A_261 = tpu.memref_slice %arg6[%dma_start3A_259, %dma_start3A_260] : memref<1x80xi32, #tpu.memory_space<vmem>> -> memref<1x80xi32, #tpu.memory_space<vmem>>
      %dma_start3A_262 = tpu.memref_squeeze %dma_start3A_261 : memref<1x80xi32, #tpu.memory_space<vmem>> -> memref<80xi32, #tpu.memory_space<vmem>>
      %dma_start3A_263 = tpu.memref_slice %arg2[%add3A_258] : memref<320000xi32, #tpu.memory_space<hbm>> -> memref<80xi32, #tpu.memory_space<hbm>>
      %dma_start3A_264 = arith.constant 0 : i32
      %dma_start3A_265 = tpu.memref_slice %arg6[%dma_start3A_259, %dma_start3A_264] : memref<1x80xi32, #tpu.memory_space<vmem>> -> memref<1x80xi32, #tpu.memory_space<vmem>>
      %dma_start3A_266 = tpu.memref_squeeze %dma_start3A_265 : memref<1x80xi32, #tpu.memory_space<vmem>> -> memref<80xi32, #tpu.memory_space<vmem>>
      %dma_start3A_267 = tpu.memref_slice %arg2[%add3A_258] : memref<320000xi32, #tpu.memory_space<hbm>> -> memref<80xi32, #tpu.memory_space<hbm>>
      tpu.enqueue_dma source(%dma_start3A_267 : memref<80xi32, #tpu.memory_space<hbm>>) target(%dma_start3A_266 : memref<80xi32, #tpu.memory_space<vmem>>) target_semaphore(%arg11 : memref<!tpu.dma_semaphore, #tpu.memory_space<semaphore_mem>>)
      %dma_wait3A_268 = arith.constant 0 : i32
      %dma_wait3A_269 = arith.constant 0 : i32
      %dma_wait3A_270 = tpu.memref_slice %arg7[%dma_wait3A_268, %dma_wait3A_269] : memref<1x80xi32, #tpu.memory_space<vmem>> -> memref<1x80xi32, #tpu.memory_space<vmem>>
      %dma_wait3A_271 = tpu.memref_squeeze %dma_wait3A_270 : memref<1x80xi32, #tpu.memory_space<vmem>> -> memref<80xi32, #tpu.memory_space<vmem>>
      %dma_wait3A_272 = arith.constant 0 : i32
      %dma_wait3A_273 = arith.constant 0 : i32
      %dma_wait3A_274 = tpu.memref_slice %arg9[%dma_wait3A_272, %dma_wait3A_273] : memref<10240x16xf32, #tpu.memory_space<vmem_shared>> -> memref<10240x16xf32, #tpu.memory_space<vmem_shared>>
      tpu.wait_indirect_dma semaphore(%arg15 : memref<!tpu.dma_semaphore, #tpu.memory_space<semaphore_mem>>) src(%arg8 : memref<80x16xf32, #tpu.memory_space<vmem>>) dst(%dma_wait3A_274 : memref<10240x16xf32, #tpu.memory_space<vmem_shared>>)
      %add3A_275 = arith.constant 3 : i32
      %add3A_276 = arith.addi %mul3A_200, %add3A_275 : i32
      %add3A_277 = arith.constant 2 : i32
      %add3A_278 = arith.addi %add3A_276, %add3A_277 : i32
      %mul3A_279 = arith.constant 80 : i32
      %mul3A_280 = arith.muli %add3A_278, %mul3A_279 : i32
      %add3A_281 = arith.addi %mul3A_2, %mul3A_280 : i32
      %dma_start3A_282 = arith.constant 0 : i32
      %dma_start3A_283 = arith.constant 0 : i32
      %dma_start3A_284 = tpu.memref_slice %arg7[%dma_start3A_282, %dma_start3A_283] : memref<1x80xi32, #tpu.memory_space<vmem>> -> memref<1x80xi32, #tpu.memory_space<vmem>>
      %dma_start3A_285 = tpu.memref_squeeze %dma_start3A_284 : memref<1x80xi32, #tpu.memory_space<vmem>> -> memref<80xi32, #tpu.memory_space<vmem>>
      %dma_start3A_286 = tpu.memref_slice %arg2[%add3A_281] : memref<320000xi32, #tpu.memory_space<hbm>> -> memref<80xi32, #tpu.memory_space<hbm>>
      %dma_start3A_287 = arith.constant 0 : i32
      %dma_start3A_288 = tpu.memref_slice %arg7[%dma_start3A_282, %dma_start3A_287] : memref<1x80xi32, #tpu.memory_space<vmem>> -> memref<1x80xi32, #tpu.memory_space<vmem>>
      %dma_start3A_289 = tpu.memref_squeeze %dma_start3A_288 : memref<1x80xi32, #tpu.memory_space<vmem>> -> memref<80xi32, #tpu.memory_space<vmem>>
      %dma_start3A_290 = tpu.memref_slice %arg2[%add3A_281] : memref<320000xi32, #tpu.memory_space<hbm>> -> memref<80xi32, #tpu.memory_space<hbm>>
      tpu.enqueue_dma source(%dma_start3A_290 : memref<80xi32, #tpu.memory_space<hbm>>) target(%dma_start3A_289 : memref<80xi32, #tpu.memory_space<vmem>>) target_semaphore(%arg12 : memref<!tpu.dma_semaphore, #tpu.memory_space<semaphore_mem>>)
      %dma_wait3A_291 = arith.constant 0 : i32
      %dma_wait3A_292 = arith.constant 0 : i32
      %dma_wait3A_293 = tpu.memref_slice %arg5[%dma_wait3A_291, %dma_wait3A_292] : memref<1x80xi32, #tpu.memory_space<vmem>> -> memref<1x80xi32, #tpu.memory_space<vmem>>
      %dma_wait3A_294 = tpu.memref_squeeze %dma_wait3A_293 : memref<1x80xi32, #tpu.memory_space<vmem>> -> memref<80xi32, #tpu.memory_space<vmem>>
      %dma_wait3A_295 = tpu.memref_slice %arg2[%mul3A_2] : memref<320000xi32, #tpu.memory_space<hbm>> -> memref<80xi32, #tpu.memory_space<hbm>>
      %dma_wait3A_296 = arith.constant 0 : i32
      %dma_wait3A_297 = tpu.memref_slice %arg5[%dma_wait3A_291, %dma_wait3A_296] : memref<1x80xi32, #tpu.memory_space<vmem>> -> memref<1x80xi32, #tpu.memory_space<vmem>>
      %dma_wait3A_298 = tpu.memref_squeeze %dma_wait3A_297 : memref<1x80xi32, #tpu.memory_space<vmem>> -> memref<80xi32, #tpu.memory_space<vmem>>
      %dma_wait3A_299 = tpu.memref_slice %arg2[%mul3A_2] : memref<320000xi32, #tpu.memory_space<hbm>> -> memref<80xi32, #tpu.memory_space<hbm>>
      tpu.wait_dma2 semaphore(%arg10 : memref<!tpu.dma_semaphore, #tpu.memory_space<semaphore_mem>>) src(%dma_wait3A_299 : memref<80xi32, #tpu.memory_space<hbm>>) dst(%dma_wait3A_298 : memref<80xi32, #tpu.memory_space<vmem>>)
      %dma_wait3A_300 = arith.constant 0 : i32
      %dma_wait3A_301 = arith.constant 0 : i32
      %dma_wait3A_302 = tpu.memref_slice %arg6[%dma_wait3A_300, %dma_wait3A_301] : memref<1x80xi32, #tpu.memory_space<vmem>> -> memref<1x80xi32, #tpu.memory_space<vmem>>
      %dma_wait3A_303 = tpu.memref_squeeze %dma_wait3A_302 : memref<1x80xi32, #tpu.memory_space<vmem>> -> memref<80xi32, #tpu.memory_space<vmem>>
      %dma_wait3A_304 = tpu.memref_slice %arg2[%mul3A_2] : memref<320000xi32, #tpu.memory_space<hbm>> -> memref<80xi32, #tpu.memory_space<hbm>>
      %dma_wait3A_305 = arith.constant 0 : i32
      %dma_wait3A_306 = tpu.memref_slice %arg6[%dma_wait3A_300, %dma_wait3A_305] : memref<1x80xi32, #tpu.memory_space<vmem>> -> memref<1x80xi32, #tpu.memory_space<vmem>>
      %dma_wait3A_307 = tpu.memref_squeeze %dma_wait3A_306 : memref<1x80xi32, #tpu.memory_space<vmem>> -> memref<80xi32, #tpu.memory_space<vmem>>
      %dma_wait3A_308 = tpu.memref_slice %arg2[%mul3A_2] : memref<320000xi32, #tpu.memory_space<hbm>> -> memref<80xi32, #tpu.memory_space<hbm>>
      tpu.wait_dma2 semaphore(%arg11 : memref<!tpu.dma_semaphore, #tpu.memory_space<semaphore_mem>>) src(%dma_wait3A_308 : memref<80xi32, #tpu.memory_space<hbm>>) dst(%dma_wait3A_307 : memref<80xi32, #tpu.memory_space<vmem>>)
      %dma_wait3A_309 = arith.constant 0 : i32
      %dma_wait3A_310 = arith.constant 0 : i32
      %dma_wait3A_311 = tpu.memref_slice %arg7[%dma_wait3A_309, %dma_wait3A_310] : memref<1x80xi32, #tpu.memory_space<vmem>> -> memref<1x80xi32, #tpu.memory_space<vmem>>
      %dma_wait3A_312 = tpu.memref_squeeze %dma_wait3A_311 : memref<1x80xi32, #tpu.memory_space<vmem>> -> memref<80xi32, #tpu.memory_space<vmem>>
      %dma_wait3A_313 = tpu.memref_slice %arg2[%mul3A_2] : memref<320000xi32, #tpu.memory_space<hbm>> -> memref<80xi32, #tpu.memory_space<hbm>>
      %dma_wait3A_314 = arith.constant 0 : i32
      %dma_wait3A_315 = tpu.memref_slice %arg7[%dma_wait3A_309, %dma_wait3A_314] : memref<1x80xi32, #tpu.memory_space<vmem>> -> memref<1x80xi32, #tpu.memory_space<vmem>>
      %dma_wait3A_316 = tpu.memref_squeeze %dma_wait3A_315 : memref<1x80xi32, #tpu.memory_space<vmem>> -> memref<80xi32, #tpu.memory_space<vmem>>
      %dma_wait3A_317 = tpu.memref_slice %arg2[%mul3A_2] : memref<320000xi32, #tpu.memory_space<hbm>> -> memref<80xi32, #tpu.memory_space<hbm>>
      tpu.wait_dma2 semaphore(%arg12 : memref<!tpu.dma_semaphore, #tpu.memory_space<semaphore_mem>>) src(%dma_wait3A_317 : memref<80xi32, #tpu.memory_space<hbm>>) dst(%dma_wait3A_316 : memref<80xi32, #tpu.memory_space<vmem>>)
      %scan3A_318 = arith.constant 0 : i32
      scf.yield %scan3A_318 : i32
    }
    %scan3A_81 = arith.constant 40 : i32
    %dma_start3A_82 = arith.constant 0 : i32
    %dma_start3A_83 = arith.constant 0 : i32
    %dma_start3A_84 = tpu.memref_slice %arg5[%dma_start3A_82, %dma_start3A_83] : memref<1x80xi32, #tpu.memory_space<vmem>> -> memref<1x80xi32, #tpu.memory_space<vmem>>
    %dma_start3A_85 = tpu.memref_squeeze %dma_start3A_84 : memref<1x80xi32, #tpu.memory_space<vmem>> -> memref<80xi32, #tpu.memory_space<vmem>>
    %dma_start3A_86 = arith.constant 0 : i32
    %dma_start3A_87 = arith.constant 0 : i32
    %dma_start3A_88 = tpu.memref_slice %arg9[%dma_start3A_86, %dma_start3A_87] : memref<10240x16xf32, #tpu.memory_space<vmem_shared>> -> memref<10240x16xf32, #tpu.memory_space<vmem_shared>>
    tpu.enqueue_indirect_dma source(%arg8 : memref<80x16xf32, #tpu.memory_space<vmem>>) target(%dma_start3A_88 : memref<10240x16xf32, #tpu.memory_space<vmem_shared>>) offsets(%dma_start3A_85 : memref<80xi32, #tpu.memory_space<vmem>>) semaphore(%arg13 : memref<!tpu.dma_semaphore, #tpu.memory_space<semaphore_mem>>) {add = true}
    %dma_start3A_89 = arith.constant 0 : i32
    %dma_start3A_90 = arith.constant 0 : i32
    %dma_start3A_91 = tpu.memref_slice %arg6[%dma_start3A_89, %dma_start3A_90] : memref<1x80xi32, #tpu.memory_space<vmem>> -> memref<1x80xi32, #tpu.memory_space<vmem>>
    %dma_start3A_92 = tpu.memref_squeeze %dma_start3A_91 : memref<1x80xi32, #tpu.memory_space<vmem>> -> memref<80xi32, #tpu.memory_space<vmem>>
    %dma_start3A_93 = arith.constant 0 : i32
    %dma_start3A_94 = arith.constant 0 : i32
    %dma_start3A_95 = tpu.memref_slice %arg9[%dma_start3A_93, %dma_start3A_94] : memref<10240x16xf32, #tpu.memory_space<vmem_shared>> -> memref<10240x16xf32, #tpu.memory_space<vmem_shared>>
    tpu.enqueue_indirect_dma source(%arg8 : memref<80x16xf32, #tpu.memory_space<vmem>>) target(%dma_start3A_95 : memref<10240x16xf32, #tpu.memory_space<vmem_shared>>) offsets(%dma_start3A_92 : memref<80xi32, #tpu.memory_space<vmem>>) semaphore(%arg14 : memref<!tpu.dma_semaphore, #tpu.memory_space<semaphore_mem>>) {add = true}
    %dma_start3A_96 = arith.constant 0 : i32
    %dma_start3A_97 = arith.constant 0 : i32
    %dma_start3A_98 = tpu.memref_slice %arg7[%dma_start3A_96, %dma_start3A_97] : memref<1x80xi32, #tpu.memory_space<vmem>> -> memref<1x80xi32, #tpu.memory_space<vmem>>
    %dma_start3A_99 = tpu.memref_squeeze %dma_start3A_98 : memref<1x80xi32, #tpu.memory_space<vmem>> -> memref<80xi32, #tpu.memory_space<vmem>>
    %dma_start3A_100 = arith.constant 0 : i32
    %dma_start3A_101 = arith.constant 0 : i32
    %dma_start3A_102 = tpu.memref_slice %arg9[%dma_start3A_100, %dma_start3A_101] : memref<10240x16xf32, #tpu.memory_space<vmem_shared>> -> memref<10240x16xf32, #tpu.memory_space<vmem_shared>>
    tpu.enqueue_indirect_dma source(%arg8 : memref<80x16xf32, #tpu.memory_space<vmem>>) target(%dma_start3A_102 : memref<10240x16xf32, #tpu.memory_space<vmem_shared>>) offsets(%dma_start3A_99 : memref<80xi32, #tpu.memory_space<vmem>>) semaphore(%arg15 : memref<!tpu.dma_semaphore, #tpu.memory_space<semaphore_mem>>) {add = true}
    %dma_wait3A_103 = arith.constant 0 : i32
    %dma_wait3A_104 = arith.constant 0 : i32
    %dma_wait3A_105 = tpu.memref_slice %arg5[%dma_wait3A_103, %dma_wait3A_104] : memref<1x80xi32, #tpu.memory_space<vmem>> -> memref<1x80xi32, #tpu.memory_space<vmem>>
    %dma_wait3A_106 = tpu.memref_squeeze %dma_wait3A_105 : memref<1x80xi32, #tpu.memory_space<vmem>> -> memref<80xi32, #tpu.memory_space<vmem>>
    %dma_wait3A_107 = arith.constant 0 : i32
    %dma_wait3A_108 = arith.constant 0 : i32
    %dma_wait3A_109 = tpu.memref_slice %arg9[%dma_wait3A_107, %dma_wait3A_108] : memref<10240x16xf32, #tpu.memory_space<vmem_shared>> -> memref<10240x16xf32, #tpu.memory_space<vmem_shared>>
    tpu.wait_indirect_dma semaphore(%arg13 : memref<!tpu.dma_semaphore, #tpu.memory_space<semaphore_mem>>) src(%arg8 : memref<80x16xf32, #tpu.memory_space<vmem>>) dst(%dma_wait3A_109 : memref<10240x16xf32, #tpu.memory_space<vmem_shared>>)
    %add3A_110 = arith.constant 9840 : i32
    %add3A_111 = arith.addi %mul3A_2, %add3A_110 : i32
    %dma_start3A_112 = arith.constant 0 : i32
    %dma_start3A_113 = arith.constant 0 : i32
    %dma_start3A_114 = tpu.memref_slice %arg5[%dma_start3A_112, %dma_start3A_113] : memref<1x80xi32, #tpu.memory_space<vmem>> -> memref<1x80xi32, #tpu.memory_space<vmem>>
    %dma_start3A_115 = tpu.memref_squeeze %dma_start3A_114 : memref<1x80xi32, #tpu.memory_space<vmem>> -> memref<80xi32, #tpu.memory_space<vmem>>
    %dma_start3A_116 = tpu.memref_slice %arg2[%add3A_111] : memref<320000xi32, #tpu.memory_space<hbm>> -> memref<80xi32, #tpu.memory_space<hbm>>
    %dma_start3A_117 = arith.constant 0 : i32
    %dma_start3A_118 = tpu.memref_slice %arg5[%dma_start3A_112, %dma_start3A_117] : memref<1x80xi32, #tpu.memory_space<vmem>> -> memref<1x80xi32, #tpu.memory_space<vmem>>
    %dma_start3A_119 = tpu.memref_squeeze %dma_start3A_118 : memref<1x80xi32, #tpu.memory_space<vmem>> -> memref<80xi32, #tpu.memory_space<vmem>>
    %dma_start3A_120 = tpu.memref_slice %arg2[%add3A_111] : memref<320000xi32, #tpu.memory_space<hbm>> -> memref<80xi32, #tpu.memory_space<hbm>>
    tpu.enqueue_dma source(%dma_start3A_120 : memref<80xi32, #tpu.memory_space<hbm>>) target(%dma_start3A_119 : memref<80xi32, #tpu.memory_space<vmem>>) target_semaphore(%arg10 : memref<!tpu.dma_semaphore, #tpu.memory_space<semaphore_mem>>)
    %dma_wait3A_121 = arith.constant 0 : i32
    %dma_wait3A_122 = arith.constant 0 : i32
    %dma_wait3A_123 = tpu.memref_slice %arg5[%dma_wait3A_121, %dma_wait3A_122] : memref<1x80xi32, #tpu.memory_space<vmem>> -> memref<1x80xi32, #tpu.memory_space<vmem>>
    %dma_wait3A_124 = tpu.memref_squeeze %dma_wait3A_123 : memref<1x80xi32, #tpu.memory_space<vmem>> -> memref<80xi32, #tpu.memory_space<vmem>>
    %dma_wait3A_125 = tpu.memref_slice %arg2[%mul3A_2] : memref<320000xi32, #tpu.memory_space<hbm>> -> memref<80xi32, #tpu.memory_space<hbm>>
    %dma_wait3A_126 = arith.constant 0 : i32
    %dma_wait3A_127 = tpu.memref_slice %arg5[%dma_wait3A_121, %dma_wait3A_126] : memref<1x80xi32, #tpu.memory_space<vmem>> -> memref<1x80xi32, #tpu.memory_space<vmem>>
    %dma_wait3A_128 = tpu.memref_squeeze %dma_wait3A_127 : memref<1x80xi32, #tpu.memory_space<vmem>> -> memref<80xi32, #tpu.memory_space<vmem>>
    %dma_wait3A_129 = tpu.memref_slice %arg2[%mul3A_2] : memref<320000xi32, #tpu.memory_space<hbm>> -> memref<80xi32, #tpu.memory_space<hbm>>
    tpu.wait_dma2 semaphore(%arg10 : memref<!tpu.dma_semaphore, #tpu.memory_space<semaphore_mem>>) src(%dma_wait3A_129 : memref<80xi32, #tpu.memory_space<hbm>>) dst(%dma_wait3A_128 : memref<80xi32, #tpu.memory_space<vmem>>)
    %dma_start3A_130 = arith.constant 0 : i32
    %dma_start3A_131 = arith.constant 0 : i32
    %dma_start3A_132 = tpu.memref_slice %arg5[%dma_start3A_130, %dma_start3A_131] : memref<1x80xi32, #tpu.memory_space<vmem>> -> memref<1x80xi32, #tpu.memory_space<vmem>>
    %dma_start3A_133 = tpu.memref_squeeze %dma_start3A_132 : memref<1x80xi32, #tpu.memory_space<vmem>> -> memref<80xi32, #tpu.memory_space<vmem>>
    %dma_start3A_134 = arith.constant 0 : i32
    %dma_start3A_135 = arith.constant 0 : i32
    %dma_start3A_136 = tpu.memref_slice %arg9[%dma_start3A_134, %dma_start3A_135] : memref<10240x16xf32, #tpu.memory_space<vmem_shared>> -> memref<10240x16xf32, #tpu.memory_space<vmem_shared>>
    tpu.enqueue_indirect_dma source(%arg8 : memref<80x16xf32, #tpu.memory_space<vmem>>) target(%dma_start3A_136 : memref<10240x16xf32, #tpu.memory_space<vmem_shared>>) offsets(%dma_start3A_133 : memref<80xi32, #tpu.memory_space<vmem>>) semaphore(%arg13 : memref<!tpu.dma_semaphore, #tpu.memory_space<semaphore_mem>>) {add = true}
    %dma_wait3A_137 = arith.constant 0 : i32
    %dma_wait3A_138 = arith.constant 0 : i32
    %dma_wait3A_139 = tpu.memref_slice %arg6[%dma_wait3A_137, %dma_wait3A_138] : memref<1x80xi32, #tpu.memory_space<vmem>> -> memref<1x80xi32, #tpu.memory_space<vmem>>
    %dma_wait3A_140 = tpu.memref_squeeze %dma_wait3A_139 : memref<1x80xi32, #tpu.memory_space<vmem>> -> memref<80xi32, #tpu.memory_space<vmem>>
    %dma_wait3A_141 = arith.constant 0 : i32
    %dma_wait3A_142 = arith.constant 0 : i32
    %dma_wait3A_143 = tpu.memref_slice %arg9[%dma_wait3A_141, %dma_wait3A_142] : memref<10240x16xf32, #tpu.memory_space<vmem_shared>> -> memref<10240x16xf32, #tpu.memory_space<vmem_shared>>
    tpu.wait_indirect_dma semaphore(%arg14 : memref<!tpu.dma_semaphore, #tpu.memory_space<semaphore_mem>>) src(%arg8 : memref<80x16xf32, #tpu.memory_space<vmem>>) dst(%dma_wait3A_143 : memref<10240x16xf32, #tpu.memory_space<vmem_shared>>)
    %add3A_144 = arith.constant 9920 : i32
    %add3A_145 = arith.addi %mul3A_2, %add3A_144 : i32
    %dma_start3A_146 = arith.constant 0 : i32
    %dma_start3A_147 = arith.constant 0 : i32
    %dma_start3A_148 = tpu.memref_slice %arg6[%dma_start3A_146, %dma_start3A_147] : memref<1x80xi32, #tpu.memory_space<vmem>> -> memref<1x80xi32, #tpu.memory_space<vmem>>
    %dma_start3A_149 = tpu.memref_squeeze %dma_start3A_148 : memref<1x80xi32, #tpu.memory_space<vmem>> -> memref<80xi32, #tpu.memory_space<vmem>>
    %dma_start3A_150 = tpu.memref_slice %arg2[%add3A_145] : memref<320000xi32, #tpu.memory_space<hbm>> -> memref<80xi32, #tpu.memory_space<hbm>>
    %dma_start3A_151 = arith.constant 0 : i32
    %dma_start3A_152 = tpu.memref_slice %arg6[%dma_start3A_146, %dma_start3A_151] : memref<1x80xi32, #tpu.memory_space<vmem>> -> memref<1x80xi32, #tpu.memory_space<vmem>>
    %dma_start3A_153 = tpu.memref_squeeze %dma_start3A_152 : memref<1x80xi32, #tpu.memory_space<vmem>> -> memref<80xi32, #tpu.memory_space<vmem>>
    %dma_start3A_154 = tpu.memref_slice %arg2[%add3A_145] : memref<320000xi32, #tpu.memory_space<hbm>> -> memref<80xi32, #tpu.memory_space<hbm>>
    tpu.enqueue_dma source(%dma_start3A_154 : memref<80xi32, #tpu.memory_space<hbm>>) target(%dma_start3A_153 : memref<80xi32, #tpu.memory_space<vmem>>) target_semaphore(%arg11 : memref<!tpu.dma_semaphore, #tpu.memory_space<semaphore_mem>>)
    %dma_wait3A_155 = arith.constant 0 : i32
    %dma_wait3A_156 = arith.constant 0 : i32
    %dma_wait3A_157 = tpu.memref_slice %arg6[%dma_wait3A_155, %dma_wait3A_156] : memref<1x80xi32, #tpu.memory_space<vmem>> -> memref<1x80xi32, #tpu.memory_space<vmem>>
    %dma_wait3A_158 = tpu.memref_squeeze %dma_wait3A_157 : memref<1x80xi32, #tpu.memory_space<vmem>> -> memref<80xi32, #tpu.memory_space<vmem>>
    %dma_wait3A_159 = tpu.memref_slice %arg2[%mul3A_2] : memref<320000xi32, #tpu.memory_space<hbm>> -> memref<80xi32, #tpu.memory_space<hbm>>
    %dma_wait3A_160 = arith.constant 0 : i32
    %dma_wait3A_161 = tpu.memref_slice %arg6[%dma_wait3A_155, %dma_wait3A_160] : memref<1x80xi32, #tpu.memory_space<vmem>> -> memref<1x80xi32, #tpu.memory_space<vmem>>
    %dma_wait3A_162 = tpu.memref_squeeze %dma_wait3A_161 : memref<1x80xi32, #tpu.memory_space<vmem>> -> memref<80xi32, #tpu.memory_space<vmem>>
    %dma_wait3A_163 = tpu.memref_slice %arg2[%mul3A_2] : memref<320000xi32, #tpu.memory_space<hbm>> -> memref<80xi32, #tpu.memory_space<hbm>>
    tpu.wait_dma2 semaphore(%arg11 : memref<!tpu.dma_semaphore, #tpu.memory_space<semaphore_mem>>) src(%dma_wait3A_163 : memref<80xi32, #tpu.memory_space<hbm>>) dst(%dma_wait3A_162 : memref<80xi32, #tpu.memory_space<vmem>>)
    %dma_start3A_164 = arith.constant 0 : i32
    %dma_start3A_165 = arith.constant 0 : i32
    %dma_start3A_166 = tpu.memref_slice %arg6[%dma_start3A_164, %dma_start3A_165] : memref<1x80xi32, #tpu.memory_space<vmem>> -> memref<1x80xi32, #tpu.memory_space<vmem>>
    %dma_start3A_167 = tpu.memref_squeeze %dma_start3A_166 : memref<1x80xi32, #tpu.memory_space<vmem>> -> memref<80xi32, #tpu.memory_space<vmem>>
    %dma_start3A_168 = arith.constant 0 : i32
    %dma_start3A_169 = arith.constant 0 : i32
    %dma_start3A_170 = tpu.memref_slice %arg9[%dma_start3A_168, %dma_start3A_169] : memref<10240x16xf32, #tpu.memory_space<vmem_shared>> -> memref<10240x16xf32, #tpu.memory_space<vmem_shared>>
    tpu.enqueue_indirect_dma source(%arg8 : memref<80x16xf32, #tpu.memory_space<vmem>>) target(%dma_start3A_170 : memref<10240x16xf32, #tpu.memory_space<vmem_shared>>) offsets(%dma_start3A_167 : memref<80xi32, #tpu.memory_space<vmem>>) semaphore(%arg14 : memref<!tpu.dma_semaphore, #tpu.memory_space<semaphore_mem>>) {add = true}
    %dma_wait3A_171 = arith.constant 0 : i32
    %dma_wait3A_172 = arith.constant 0 : i32
    %dma_wait3A_173 = tpu.memref_slice %arg7[%dma_wait3A_171, %dma_wait3A_172] : memref<1x80xi32, #tpu.memory_space<vmem>> -> memref<1x80xi32, #tpu.memory_space<vmem>>
    %dma_wait3A_174 = tpu.memref_squeeze %dma_wait3A_173 : memref<1x80xi32, #tpu.memory_space<vmem>> -> memref<80xi32, #tpu.memory_space<vmem>>
    %dma_wait3A_175 = arith.constant 0 : i32
    %dma_wait3A_176 = arith.constant 0 : i32
    %dma_wait3A_177 = tpu.memref_slice %arg9[%dma_wait3A_175, %dma_wait3A_176] : memref<10240x16xf32, #tpu.memory_space<vmem_shared>> -> memref<10240x16xf32, #tpu.memory_space<vmem_shared>>
    tpu.wait_indirect_dma semaphore(%arg15 : memref<!tpu.dma_semaphore, #tpu.memory_space<semaphore_mem>>) src(%arg8 : memref<80x16xf32, #tpu.memory_space<vmem>>) dst(%dma_wait3A_177 : memref<10240x16xf32, #tpu.memory_space<vmem_shared>>)
    %dma_wait3A_178 = arith.constant 0 : i32
    %dma_wait3A_179 = arith.constant 0 : i32
    %dma_wait3A_180 = tpu.memref_slice %arg5[%dma_wait3A_178, %dma_wait3A_179] : memref<1x80xi32, #tpu.memory_space<vmem>> -> memref<1x80xi32, #tpu.memory_space<vmem>>
    %dma_wait3A_181 = tpu.memref_squeeze %dma_wait3A_180 : memref<1x80xi32, #tpu.memory_space<vmem>> -> memref<80xi32, #tpu.memory_space<vmem>>
    %dma_wait3A_182 = arith.constant 0 : i32
    %dma_wait3A_183 = arith.constant 0 : i32
    %dma_wait3A_184 = tpu.memref_slice %arg9[%dma_wait3A_182, %dma_wait3A_183] : memref<10240x16xf32, #tpu.memory_space<vmem_shared>> -> memref<10240x16xf32, #tpu.memory_space<vmem_shared>>
    tpu.wait_indirect_dma semaphore(%arg13 : memref<!tpu.dma_semaphore, #tpu.memory_space<semaphore_mem>>) src(%arg8 : memref<80x16xf32, #tpu.memory_space<vmem>>) dst(%dma_wait3A_184 : memref<10240x16xf32, #tpu.memory_space<vmem_shared>>)
    %dma_wait3A_185 = arith.constant 0 : i32
    %dma_wait3A_186 = arith.constant 0 : i32
    %dma_wait3A_187 = tpu.memref_slice %arg6[%dma_wait3A_185, %dma_wait3A_186] : memref<1x80xi32, #tpu.memory_space<vmem>> -> memref<1x80xi32, #tpu.memory_space<vmem>>
    %dma_wait3A_188 = tpu.memref_squeeze %dma_wait3A_187 : memref<1x80xi32, #tpu.memory_space<vmem>> -> memref<80xi32, #tpu.memory_space<vmem>>
    %dma_wait3A_189 = arith.constant 0 : i32
    %dma_wait3A_190 = arith.constant 0 : i32
    %dma_wait3A_191 = tpu.memref_slice %arg9[%dma_wait3A_189, %dma_wait3A_190] : memref<10240x16xf32, #tpu.memory_space<vmem_shared>> -> memref<10240x16xf32, #tpu.memory_space<vmem_shared>>
    tpu.wait_indirect_dma semaphore(%arg14 : memref<!tpu.dma_semaphore, #tpu.memory_space<semaphore_mem>>) src(%arg8 : memref<80x16xf32, #tpu.memory_space<vmem>>) dst(%dma_wait3A_191 : memref<10240x16xf32, #tpu.memory_space<vmem_shared>>)
    %barrier3A_192 = arith.constant 0 : index
    tpu.barrier barrier_id(%barrier3A_192)
    %mul3A_193 = arith.constant 640 : i32
    %mul3A_194 = arith.muli %arg1, %mul3A_193 : i32
    %mul3A_195 = arith.constant 640 : i32
    %mul3A_196 = arith.muli %arg1, %mul3A_195 : i32
    "tpu.region"() ({
      %run_scoped3A = tpu.sem_alloc : memref<!tpu.dma_semaphore, #tpu.memory_space<semaphore_mem>>
      %dma_start3A_197 = arith.constant 0 : i32
      %dma_start3A_198 = tpu.memref_slice %arg4[%arg0, %mul3A_196, %dma_start3A_197] : memref<2x10240x16xf32, #tpu.memory_space<hbm>> -> memref<1x640x16xf32, #tpu.memory_space<hbm>>
      %dma_start3A_199 = tpu.memref_squeeze %dma_start3A_198 : memref<1x640x16xf32, #tpu.memory_space<hbm>> -> memref<640x16xf32, #tpu.memory_space<hbm>>
      %dma_start3A_200 = arith.constant 0 : i32
      %dma_start3A_201 = tpu.memref_slice %arg9[%mul3A_194, %dma_start3A_200] : memref<10240x16xf32, #tpu.memory_space<vmem_shared>> -> memref<640x16xf32, #tpu.memory_space<vmem_shared>>
      tpu.enqueue_dma source(%dma_start3A_201 : memref<640x16xf32, #tpu.memory_space<vmem_shared>>) target(%dma_start3A_199 : memref<640x16xf32, #tpu.memory_space<hbm>>) target_semaphore(%run_scoped3A : memref<!tpu.dma_semaphore, #tpu.memory_space<semaphore_mem>>)
      %dma_wait3A_202 = arith.constant 0 : i32
      %dma_wait3A_203 = tpu.memref_slice %arg4[%arg0, %mul3A_196, %dma_wait3A_202] : memref<2x10240x16xf32, #tpu.memory_space<hbm>> -> memref<1x640x16xf32, #tpu.memory_space<hbm>>
      %dma_wait3A_204 = tpu.memref_squeeze %dma_wait3A_203 : memref<1x640x16xf32, #tpu.memory_space<hbm>> -> memref<640x16xf32, #tpu.memory_space<hbm>>
      %dma_wait3A_205 = arith.constant 0 : i32
      %dma_wait3A_206 = tpu.memref_slice %arg9[%mul3A_194, %dma_wait3A_205] : memref<10240x16xf32, #tpu.memory_space<vmem_shared>> -> memref<640x16xf32, #tpu.memory_space<vmem_shared>>
      tpu.wait_dma2 semaphore(%run_scoped3A : memref<!tpu.dma_semaphore, #tpu.memory_space<semaphore_mem>>) src(%dma_wait3A_206 : memref<640x16xf32, #tpu.memory_space<vmem_shared>>) dst(%dma_wait3A_204 : memref<640x16xf32, #tpu.memory_space<hbm>>)
      tpu.yield
    }) : () -> ()
    return
  }
}

</mosaic_0001>

<sc_bundles>
// kernel: _deg_call.3.cloned.1.call-start
scs
__scs_entry_jumppad:
0x0: {  	(pc) =	sbr.rel $0x88, $3  }
0x1: {  	(tag) =	ssettag $0x0;
	lr =	simm.s32 $0x1  }
0x2: {  	[smem:$0x3F9F] =	sst lr;
	_ =	strace $0xD0000000  }
0x3: {  	_ = 	snop  }
0x4: {  	_ = 	snop  }
0x5: {  	_ = 	snop  }
0x6: {  	_ = 	snop  }
0x7: {  	_ = 	snop  }
__scs_overlays_trampoline_lowered:
0x8: {  	[smem:$0x3FAE] =	sst s0  }
0x9: {  	[smem:$0x3FAF] =	sst s1  }
0xa: {  	[smem:$0x3FB0] =	sst s2  }
0xb: {  	[smem:$0x3FB1] =	sst s3  }
0xc: {  	[smem:$0x3FB2] =	sst s4  }
0xd: {  	[smem:$0x3FB3] =	sst s5  }
0xe: {  	[smem:$0x3FB4] =	sst s6  }
0xf: {  	[smem:$0x3FB5] =	sst s7  }
0x10: {  	[smem:$0x3FB6] =	sst s8  }
0x11: {  	[smem:$0x3FB7] =	sst s9;
	s0 =	simm.s32 @!p0 $0x0  }
0x12: {  	s1 =	sld [smem:$0x3F9D];
	s0 =	simm.s32 @p0 $0x1  }
0x13: {  	[smem:$0x3FB8] =	sst s0;
	s0 =	simm.s32 @!p1 $0x0  }
0x14: {  	s2 =	sld [smem:$0x3F9C];
	s0 =	simm.s32 @p1 $0x1  }
0x15: {  	[smem:$0x3FB9] =	sst s0;
	s0 =	simm.s32 @!p2 $0x0  }
0x16: {  	s3 =	sld [smem:$0x3FDB];
	s0 =	simm.s32 @p2 $0x1  }
0x17: {  	s4 =	simm.s32 $0x1BF5;
	[smem:$0x3FBB] =	sst s0  }
0x18: {  	s0 =	sld [smem:$0x3F9E];
	_ =	swait.ge [sflag:s4], $0x0  }
0x19: {  	s7 =	sld [smem:$0x3F9F]  }
0x1a: {  	s8 =	sadd.s32 $0xFFFFE003, lr  }
0x1b: {  	s9 =	sadd.s32 $0xFFFFFEF7, lr;
	s5 =	simm.s32 $0xFFFFFFFF;
	p2 =	slt.u32 s8, $0xFFFFF086  }
0x1c: {  	p1 =	slt.u32 s9, $0xF7A;
	s5 =	simm.s32 @!p2 $0x0  }
0x1d: {  	s5 =	simm.s32 @p1 $0x1;
	p0 =	seq.s32 s7, s2  }
0x1e: {  	s7 =	smul.u32 @!p0 $0xF7A, s2;
	p2 =	seq.s32 @!p0 s5, $0x0  }
0x1f: {  	s9 =	smul.u32 $0xF7A, s1;
	s8 =	simm.s32 @!p0 $0x1BF5;
	p2 =	por !p2, p0  }
0x20: {  	[sflag:s8] =	ssyncset.s32 @!p0 $0xFFFFF086;
	s6 =	sadd.s32 @!p0 s3, s7;
	s7 =	simm.s32 @!p0 $0x108  }
0x21: {  	s3 =	sadd.s32 s3, s9;
	s6 =	sadd.s32 @!p0 $0x88, s6;
	s7 =	simm.s32 @p2 $0x1082  }
0x22: {  	[simem:s7], [sflag:s8] =	dma.local @!p0 [hbm:s6], $0xF7A  }
0x23: {  	s9 =	sor.u32 $0xD0000000, s2;
	s6 =	simm.s32 $0x108;
	_ =	swait.ge @!p0 [sflag:s8], $0x0  }
0x24: {  	s3 =	sadd.s32 $0x88, s3;
	s6 =	simm.s32 @!p1 $0x1082;
	[sflag:s4] =	ssyncset.s32 $0xFFFFF086  }
0x25: {  	[simem:s6], [sflag:s4] =	dma.local [hbm:s3], $0xF7A  }
0x26: {  	[smem:$0x3F9F] =	sst s1;
	(tag) =	ssettag s2;
	_ =	strace s9  }
0x27: {  	s1 =	sld [smem:$0x3FAF]  }
0x28: {  	s2 =	sld [smem:$0x3FB0]  }
0x29: {  	s4 =	sld [smem:$0x3FB2]  }
0x2a: {  	p0 =	seq.s32 s5, $0x0;
	s5 =	sld [smem:$0x3FB3]  }
0x2b: {  	s6 =	sld [smem:$0x3FB4]  }
0x2c: {  	s7 =	sld [smem:$0x3FB5]  }
0x2d: {  	s3 =	simm.s32 $0x108;
	s8 =	sld [smem:$0x3FB6]  }
0x2e: {  	s3 =	simm.s32 @!p0 $0x1082;
	s9 =	sld [smem:$0x3FB7]  }
0x2f: {  	lr =	sadd.s32 s0, s3;
	s0 =	sld [smem:$0x3FAE]  }
0x30: {  	s3 =	sld [smem:$0x3FB1]  }
0x31: {  	[smem:$0x3FBA] =	sst s10  }
0x32: {  	s10 =	sld [smem:$0x3FB8];
	_ =	sdelay $0x3  }
0x33: {  	p0 =	seq.s32 s10, $0x1;
	s10 =	sld [smem:$0x3FBA];
	_ =	sdelay $0x3  }
0x34: {  	[smem:$0x3FBA] =	sst s10  }
0x35: {  	s10 =	sld [smem:$0x3FB9];
	_ =	sdelay $0x3  }
0x36: {  	p1 =	seq.s32 s10, $0x1;
	s10 =	sld [smem:$0x3FBA];
	_ =	sdelay $0x3  }
0x37: {  	[smem:$0x3FBA] =	sst s10  }
0x38: {  	s10 =	sld [smem:$0x3FBB]  }
0x39: {  	_ = 	snop;
	(pc) =	sbr.ind lr, $3  }
0x3a: {  	_ = 	snop  }
0x3b: {  	_ = 	snop  }
0x3c: {  	p2 =	seq.s32 s10, $0x1;
	s10 =	sld [smem:$0x3FBA]  }
0x3d: {  	_ =	shalt  }
0x3e: {  	_ =	shalt  }
0x3f: {  	_ =	shalt  }
0x40: {  	_ =	shalt  }
0x41: {  	_ =	shalt  }
0x42: {  	_ =	shalt  }
0x43: {  	_ =	shalt  }
0x44: {  	_ =	shalt  }
0x45: {  	_ =	shalt  }
0x46: {  	_ =	shalt  }
0x47: {  	_ =	shalt  }
0x48: {  	_ =	shalt  }
0x49: {  	_ =	shalt  }
0x4a: {  	_ =	shalt  }
0x4b: {  	_ =	shalt  }
0x4c: {  	_ =	shalt  }
0x4d: {  	_ =	shalt  }
0x4e: {  	_ =	shalt  }
0x4f: {  	_ =	shalt  }
0x50: {  	_ =	shalt  }
0x51: {  	_ =	shalt  }
0x52: {  	_ =	shalt  }
0x53: {  	_ =	shalt  }
0x54: {  	_ =	shalt  }
0x55: {  	_ =	shalt  }
0x56: {  	_ =	shalt  }
0x57: {  	_ =	shalt  }
0x58: {  	_ =	shalt  }
0x59: {  	_ =	shalt  }
0x5a: {  	_ =	shalt  }
0x5b: {  	_ =	shalt  }
0x5c: {  	_ =	shalt  }
0x5d: {  	_ =	shalt  }
0x5e: {  	_ =	shalt  }
0x5f: {  	_ =	shalt  }
0x60: {  	_ =	shalt  }
0x61: {  	_ =	shalt  }
0x62: {  	_ =	shalt  }
0x63: {  	_ =	shalt  }
0x64: {  	_ =	shalt  }
0x65: {  	_ =	shalt  }
0x66: {  	_ =	shalt  }
0x67: {  	_ =	shalt  }
0x68: {  	_ =	shalt  }
0x69: {  	_ =	shalt  }
0x6a: {  	_ =	shalt  }
0x6b: {  	_ =	shalt  }
0x6c: {  	_ =	shalt  }
0x6d: {  	_ =	shalt  }
0x6e: {  	_ =	shalt  }
0x6f: {  	_ =	shalt  }
0x70: {  	_ =	shalt  }
0x71: {  	_ =	shalt  }
0x72: {  	_ =	shalt  }
0x73: {  	_ =	shalt  }
0x74: {  	_ =	shalt  }
0x75: {  	_ =	shalt  }
0x76: {  	_ =	shalt  }
0x77: {  	_ =	shalt  }
0x78: {  	_ =	shalt  }
0x79: {  	_ =	shalt  }
0x7a: {  	_ =	shalt  }
0x7b: {  	_ =	shalt  }
0x7c: {  	_ =	shalt  }
0x7d: {  	_ =	shalt  }
0x7e: {  	_ =	shalt  }
0x7f: {  	_ =	shalt  }
0x80: {  	_ =	shalt  }
0x81: {  	_ =	shalt  }
0x82: {  	_ =	shalt  }
0x83: {  	_ =	shalt  }
0x84: {  	_ =	shalt  }
0x85: {  	_ =	shalt  }
0x86: {  	_ =	shalt  }
0x87: {  	_ =	shalt  }
.Lfunc_end0:
.L_simem_size_0:
called_computation_lowered:
.L_overlay_start_0:
0x88: {  	s2 =	sld [smem:$0x3FD9]  }
0x89: {  	s3 =	sld [smem:$0x3FFE];
	_ =	sdelay $0x1  }
0x8a: {  	s1 =	srdreg.scid  }
0x8b: {  	s0 =	sand.u32 $0x1, s1  }
0x8c: {  	s17 =	sshll.u32 s0, $0xA;
	s2 =	sadd.s32 s3, s2  }
0x8d: {  	s2 =	sadd.s32 s2, s17  }
0x8e: {  	[smem:$0x3FC6] =	sst s2  }
0x8f: {  	_ = 	snop  }
0x90: {  	s2 =	sld [smem:$0x3FC9]  }
0x91: {  	s18 =	sld [smem:$0x3FD0];
	(tm) =	ssettm $0x1  }
0x92: {  	s4 =	sld [smem:$0x3FFB];
	_ =	sdelay $0x3  }
0x93: {  	_ =	strace s4  }
0x94: {  	s4 =	sld [smem:$0x3FFC];
	_ =	sdelay $0x3  }
0x95: {  	_ =	strace s4  }
0x96: {  	s4 =	sld [smem:$0x3FFD];
	_ =	sdelay $0x3  }
0x97: {  	_ =	strace s4  }
0x98: {  	_ =	strace $0x8FFFFFFF  }
0x99: {  	s19 =	sld [smem:$0x3FDB];
	_ =	sdelay $0x1  }
0x9a: {  	s5 =	simm.s32 $_scs_section_size  }
0x9b: {  	s6 =	simm.s32 $_size__tile_overlayer_lowered;
	s7 =	simm.s32 $_tile_overlayer_lowered  }
0x9c: {  	s22 =	simm.s32 $0x1BFF;
	s21 =	sshll.u32 s7, $0x1;
	s4 =	sadd.s32 s5, s19  }
0x9d: {  	s8 =	simm.s32 $0x0;
	s20 =	sshll.u32 s6, $0x1;
	s6 =	sadd.s32 s21, s4  }
0x9e: {  	[timem:s8], [sflag:s22] =	dma.local [hbm:s6], s20  }
0x9f: {  	_ =	swait.ge [sflag:s22], s20  }
0xa0: {  	s5 =	ssub.s32 $0x0, s20;
	[sflag:s22] =	ssyncset.done $0x0  }
0xa1: {  	[sflag:s22] =	ssyncadd.s32 s5;
	_ =	sdelay $0x1  }
0xa2: {  	s23 =	simm.s32 $0x1B8B  }
0xa3: {  	_ =	swait.ge [sflag:s23], $0x1  }
0xa4: {  	[sflag:s23] =	ssyncset.done $0x0  }
0xa5: {  	s25 =	simm.s32 $0x1B8E;
	s24 =	sld [smem:$0x3FFE];
	[sflag:s23] =	ssyncadd.s32 $0xFFFFFFFF  }
0xa6: {  	s26 =	simm.s32 $execute0_lowered;
	[smem:$0x3FD2] =	sst s25  }
0xa7: {  	s6 =	sshll.u32 s26, $0x1;
	_ =	strace $0x80000046;
	[dreg:$0x1] =	wrdreg $0xFFFFFFFF  }
0xa8: {  	s28 =	simm.s32 $_size_execute0_lowered;
	s4 =	sadd.s32 s4, s6;
	[dreg:$0x0] =	wrdreg $0x0  }
0xa9: {  	s6 =	sshll.u32 s28, $0x1;
	[dreg:$0x2] =	wrdreg s4  }
0xaa: {  	[dreg:$0x3] =	wrdreg s6  }
0xab: {  	[dreg:$0x4] =	wrdreg $0xC0  }
0xac: {  	_ =	task [dreg:s8], $0x5FFFF  }
0xad: {  	[dreg:$0x1] =	wrdreg $0xFFFFFFFF  }
0xae: {  	[dreg:$0x0] =	wrdreg $0x60  }
0xaf: {  	[dreg:$0x2] =	wrdreg s2  }
0xb0: {  	[dreg:$0x3] =	wrdreg s18  }
0xb1: {  	[dreg:$0x4] =	wrdreg s24  }
0xb2: {  	[dreg:$0x5] =	wrdreg $0x29800  }
0xb3: {  	[dreg:$0x6] =	wrdreg $0x9  }
0xb4: {  	_ =	task.clear_ibuf [dreg:s8], $0x7FFFF;
	_ =	strace $0x90000046  }
0xb5: {  	s29 =	simm.s32 $0x9;
	_ =	strace $0x80000048  }
0xb6: {  	_ =	swait.ge [sflag:s29], $0x1  }
0xb7: {  	[sflag:s29] =	ssyncadd.s32 $0xFFFFFFFF  }
0xb8: {  	_ =	strace $0x90000048  }
0xb9: {  	_ =	sfence  }
0xba: {  	s30 =	sld [smem:$0x0];
	_ =	sdelay $0x2  }
0xbb: {  	s31 =	sshll.u32 s1, $0xD;
	s1 =	sshrl.u32 s1, $0x2  }
0xbc: {  	s3 =	sand.u32 $0x4000, s31;
	s1 =	sadd.s32 s1, s30  }
0xbd: {  	s0 =	sor.u32 s3, s0;
	s1 =	sshll.u32 s1, $0x11  }
0xbe: {  	s0 =	sor.u32 s1, s0  }
0xbf: {  	s0 =	sadd.s32 $0x8F2B, s0  }
0xc0: {  	[sflag:s0] =	ssyncadd.remote.s32 $0x1  }
0xc1: {  	_ =	sfence.sel $0xFFFF  }
0xc2: {  	[dreg:$0x0] =	wrdreg $0xFFFFFFFF;
	(pc) =	sbr.abs _section_cstart, $3  }
0xc3: {  	[dreg:$0x1] =	wrdreg $0xFFFFFFFF  }
0xc4: {  	_ =	task.clear_ibuf [dreg:s8], $0x2FFFF;
	_ =	strace $0x9FFFFFFF  }
0xc5: {  	(tm) =	ssettm $0x7FFFFFFF  }
tec
execute0_lowered:
.L_overlay_start_1:
0x0: {  	(tag) =	ssettag $0x1  }
0x1: {  	s0 =	rddreg [dreg:$0x0]  }
0x2: {  	s1 =	srdreg.scid;
	s3 =	rddreg [dreg:$0x2]  }
0x3: {  	s2 =	stileid.u32;
	s4 =	rddreg [dreg:$0x3];
	s5 =	simm.s32 $0x0  }
0x4: {  	s19 =	simm.s32 $0x4;
	s20 =	simm.s32 $0x80;
	s28 =	simm.s32 $0x5  }
0x5: {  	s29 =	simm.s32 $0x6;
	s30 =	simm.s32 $0x7;
	s7 =	smul.u32 $0x14000, s2  }
0x6: {  	s31 =	simm.s32 $0x0;
	s1 =	sand.u32 $0x1, s1;
	s9 =	smul.u32 $0x50000, s2  }
0x7: {  	[smem:$0x7FF] =	sst s5;
	s21 =	sshll.u32 s2, $0x1;
	s6 =	smul.u32 $0x140000, s1  }
0x8: {  	s11 =	smul.u32 $0x4E20, s2;
	_ =	strace $0x80000047;
	s8 =	ssub.s32 $0x2, s1  }
0x9: {  	s22 =	sshrl.u32 s8, $0x1;
	s23 =	sshrl.u32 s9, $0x2;
	s6 =	sadd.s32 s7, s6  }
0xa: {  	s7 =	sor.u32 s1, s21;
	s14 =	ssub.s32 s8, s22;
	s1 =	smul.u32 $0x2710, s1  }
0xb: {  	s17 =	sadd.s32 s23, s4;
	s21 =	simm.s32 $0x100;
	s22 =	simm.s32 $0x1  }
0xc: {  	s23 =	simm.s32 $0x2;
	s6 =	sshrl.u32 s6, $0x3;
	s7 =	smul.u32 $0x2710, s7  }
0xd: {  	s14 =	smax.u32 s14, $0x1;
	s18 =	sshrl.u32 s17, $0x3;
	s3 =	sadd.s32 s6, s3  }
0xe: {  	s6 =	sshll.u32 s2, $0x6;
	s1 =	sadd.s32 s1, s11;
	s24 =	sshrl.u32 s7, $0x3  }
0xf: {  	s2 =	sor.u32 $0x1C04, s6;
	s15 =	sadd.s32 $0x190, s1;
	s13 =	sadd.s32 $0x400, s3  }
0x10: {  	s16 =	sadd.s32 $0x140, s1;
	s1 =	sadd.s32 $0xF0, s1;
	[dreg:$0x5] =	wrdreg s2  }
0x11: {  	s8 =	sadd.s32 s0, s24;
	s25 =	sshrl.u32 s15, $0x3;
	s26 =	sshrl.u32 s16, $0x3  }
0x12: {  	s24 =	simm.s32 $0x3;
	s9 =	sadd.s32 $0xA, s8;
	s10 =	sadd.s32 $0x14, s8  }
0x13: {  	s11 =	sadd.s32 $0x4CE, s8;
	s12 =	sadd.s32 $0x4D8, s8;
	s15 =	sadd.s32 s25, s0  }
0x14: {  	v0 =	vimm.f32 $1.000000000e+00;
	s16 =	sadd.s32 s26, s0;
	s25 =	simm.s32 $0x50;
	s26 =	simm.s32 $0x180  }
.LBB2_1:
0x15: {  	s3 =	simm.s32 $0x200;
	s17 =	simm.s32 $0x0  }
.LBB2_2:
0x16: {  	p0 =	sne.s32 s3, $0x9E00;
	[tilespmem:s17+$0x180] =	vst v0;
	s17 =	smov.u32 s3;
	s3 =	sadd.s32 $0x200, s3  }
.Ltmp0:
0x17: {  	(pc) =	sbr.rel @p0 .LBB2_2-.Ltmp0, $2  }
0x18: {  	_ =	sdelay $0x2  }
0x19: {  	s17 =	sshra.s32 s17, $0x2  }
0x1a: {  	s2 =	rddreg [dreg:$0x1]  }
0x1b: {  	[tilespmem:s17+$0x180] =	vst v0;
	s3 =	rddreg [dreg:$0x5]  }
0x1c: {  	[spmem:s18], [sflag:s3] =	dma.local [hbm:s2], $0x2800  }
0x1d: {  	_ =	swait.ge [sflag:s19], $0x2800  }
0x1e: {  	[sflag:s19] =	ssyncset.done $0x0  }
0x1f: {  	[sflag:s19] =	ssyncadd.s32 $0xFFFFD800  }
0x20: {  	s17 =	simm.s32 $0x0;
	[bflag:$0x0] =	sbarrier.arrive $0xFFFF  }
0x21: {  	[tilespmem:s17], [sflag:$0x1] =	stream.linear.gather [hbm4b:s8+s17], $0x50, $0x38;
	[tilespmem:$0x5180] =	vst v63  }
0x22: {  	_ = 	snop  }
0x23: {  	[tilespmem:s20], [sflag:$0x2] =	stream.linear.gather [hbm4b:s9+s17], $0x50, $0x38;
	[tilespmem:$0x5180] =	vst v63  }
0x24: {  	_ = 	snop  }
0x25: {  	[tilespmem:s21], [sflag:$0x3] =	stream.linear.gather [hbm4b:s10+s17], $0x50, $0x38;
	[tilespmem:$0x5180] =	vst v63  }
0x26: {  	_ =	swait.ge [sflag:s22], $0x50  }
0x27: {  	[sflag:s22] =	ssyncset.done $0x0  }
0x28: {  	[sflag:s22] =	ssyncadd.s32 $0xFFFFFFB0  }
0x29: {  	_ =	swait.ge [sflag:s23], $0x50  }
0x2a: {  	[sflag:s23] =	ssyncset.done $0x0  }
0x2b: {  	[sflag:s23] =	ssyncadd.s32 $0xFFFFFFB0  }
0x2c: {  	_ =	swait.ge [sflag:s24], $0x50  }
0x2d: {  	[sflag:s24] =	ssyncset.done $0x0  }
0x2e: {  	[sflag:s24] =	ssyncadd.s32 $0xFFFFFFB0  }
0x2f: {  	[spmem:s4] =	stream.indirect.scatter.add.f32 [tilespmem:s26], [sflag:$0x4], $0x10, s5, s25, $0xb8;
	[tilespmem:$0x5180] =	vst v63  }
0x30: {  	_ = 	snop  }
0x31: {  	[spmem:s4] =	stream.indirect.scatter.add.f32 [tilespmem:s26], [sflag:$0x5], $0x10, s20, s25, $0xb8;
	[tilespmem:$0x5180] =	vst v63  }
0x32: {  	_ = 	snop  }
0x33: {  	[spmem:s4] =	stream.indirect.scatter.add.f32 [tilespmem:s26], [sflag:$0x6], $0x10, s21, s25, $0xb8;
	[tilespmem:$0x5180] =	vst v63  }
0x34: {  	_ =	swait.ge [sflag:s19], $0x500  }
0x35: {  	s2 =	sshrl.u32 s1, $0x3;
	[sflag:s19] =	ssyncset.done $0x0  }
0x36: {  	s3 =	sadd.s32 s0, s2;
	[sflag:s19] =	ssyncadd.s32 $0xFFFFFB00  }
0x37: {  	[tilespmem:s5], [sflag:$0x1] =	stream.linear.gather [hbm4b:s3+s5], $0x50, $0x38;
	[tilespmem:$0x5180] =	vst v63  }
0x38: {  	_ =	swait.ge [sflag:s28], $0x500  }
0x39: {  	[sflag:s28] =	ssyncset.done $0x0  }
0x3a: {  	s7 =	sadd.s32 $0x0, s16;
	[sflag:s28] =	ssyncadd.s32 $0xFFFFFB00  }
0x3b: {  	[tilespmem:s20], [sflag:$0x2] =	stream.linear.gather [hbm4b:s7+s5], $0x50, $0x38;
	[tilespmem:$0x5180] =	vst v63  }
0x3c: {  	_ =	swait.ge [sflag:s29], $0x500  }
0x3d: {  	[sflag:s29] =	ssyncset.done $0x0  }
0x3e: {  	s17 =	sadd.s32 $0x0, s15;
	[sflag:s29] =	ssyncadd.s32 $0xFFFFFB00  }
0x3f: {  	[tilespmem:s21], [sflag:$0x3] =	stream.linear.gather [hbm4b:s17+s5], $0x50, $0x38;
	[tilespmem:$0x5180] =	vst v63  }
0x40: {  	_ =	swait.ge [sflag:s22], $0x50  }
0x41: {  	[sflag:s22] =	ssyncset.done $0x0  }
0x42: {  	[sflag:s22] =	ssyncadd.s32 $0xFFFFFFB0  }
0x43: {  	_ =	swait.ge [sflag:s23], $0x50  }
0x44: {  	[sflag:s23] =	ssyncset.done $0x0  }
0x45: {  	[sflag:s23] =	ssyncadd.s32 $0xFFFFFFB0  }
0x46: {  	_ =	swait.ge [sflag:s24], $0x50  }
0x47: {  	s3 =	simm.s32 $0x1E;
	s17 =	smov.u32 s1;
	[sflag:s24] =	ssyncset.done $0x0  }
.LBB2_4:
0x48: {  	p0 =	sne.s32 s3, $0x492;
	[sflag:s24] =	ssyncadd.s32 $0xFFFFFFB0;
	s17 =	sadd.s32 $0xF0, s17  }
0x49: {  	[spmem:s4] =	stream.indirect.scatter.add.f32 [tilespmem:s26], [sflag:$0x4], $0x10, s5, s25, $0xb8;
	[tilespmem:$0x5180] =	vst v63  }
0x4a: {  	s2 =	smov.u32 s3;
	s3 =	sadd.s32 $0x1E, s3  }
0x4b: {  	[spmem:s4] =	stream.indirect.scatter.add.f32 [tilespmem:s26], [sflag:$0x5], $0x10, s20, s25, $0xb8;
	[tilespmem:$0x5180] =	vst v63  }
0x4c: {  	_ = 	snop  }
0x4d: {  	[spmem:s4] =	stream.indirect.scatter.add.f32 [tilespmem:s26], [sflag:$0x6], $0x10, s21, s25, $0xb8;
	[tilespmem:$0x5180] =	vst v63  }
0x4e: {  	_ =	swait.ge [sflag:s19], $0x500  }
0x4f: {  	s7 =	sshrl.u32 s17, $0x3;
	[sflag:s19] =	ssyncset.done $0x0  }
0x50: {  	s7 =	sadd.s32 s0, s7;
	[sflag:s19] =	ssyncadd.s32 $0xFFFFFB00  }
0x51: {  	[tilespmem:s5], [sflag:$0x1] =	stream.linear.gather [hbm4b:s7+s5], $0x50, $0x38;
	[tilespmem:$0x5180] =	vst v63  }
0x52: {  	_ =	swait.ge [sflag:s28], $0x500  }
0x53: {  	[sflag:s28] =	ssyncset.done $0x0  }
0x54: {  	s7 =	sadd.s32 s2, s16;
	[sflag:s28] =	ssyncadd.s32 $0xFFFFFB00  }
0x55: {  	[tilespmem:s20], [sflag:$0x2] =	stream.linear.gather [hbm4b:s7+s5], $0x50, $0x38;
	[tilespmem:$0x5180] =	vst v63  }
0x56: {  	_ =	swait.ge [sflag:s29], $0x500  }
0x57: {  	[sflag:s29] =	ssyncset.done $0x0  }
0x58: {  	s2 =	sadd.s32 s2, s15;
	[sflag:s29] =	ssyncadd.s32 $0xFFFFFB00  }
0x59: {  	[tilespmem:s21], [sflag:$0x3] =	stream.linear.gather [hbm4b:s2+s5], $0x50, $0x38;
	[tilespmem:$0x5180] =	vst v63  }
0x5a: {  	_ =	swait.ge [sflag:s22], $0x50  }
0x5b: {  	[sflag:s22] =	ssyncset.done $0x0  }
0x5c: {  	[sflag:s22] =	ssyncadd.s32 $0xFFFFFFB0  }
.Ltmp1:
0x5d: {  	_ =	swait.ge [sflag:s23], $0x50;
	(pc) =	sbr.rel @p0 .LBB2_4-.Ltmp1, $4  }
0x5e: {  	[sflag:s23] =	ssyncset.done $0x0  }
0x5f: {  	[sflag:s23] =	ssyncadd.s32 $0xFFFFFFB0  }
0x60: {  	_ =	swait.ge [sflag:s24], $0x50  }
0x61: {  	[sflag:s24] =	ssyncset.done $0x0  }
0x62: {  	[sflag:s24] =	ssyncadd.s32 $0xFFFFFFB0  }
0x63: {  	[spmem:s4] =	stream.indirect.scatter.add.f32 [tilespmem:s26], [sflag:$0x4], $0x10, s5, s25, $0xb8;
	[tilespmem:$0x5180] =	vst v63  }
0x64: {  	_ = 	snop  }
0x65: {  	[spmem:s4] =	stream.indirect.scatter.add.f32 [tilespmem:s26], [sflag:$0x5], $0x10, s20, s25, $0xb8;
	[tilespmem:$0x5180] =	vst v63  }
0x66: {  	_ = 	snop  }
0x67: {  	[spmem:s4] =	stream.indirect.scatter.add.f32 [tilespmem:s26], [sflag:$0x6], $0x10, s21, s25, $0xb8;
	[tilespmem:$0x5180] =	vst v63  }
0x68: {  	_ =	swait.ge [sflag:s19], $0x500  }
0x69: {  	[sflag:s19] =	ssyncset.done $0x0  }
0x6a: {  	[sflag:s19] =	ssyncadd.s32 $0xFFFFFB00  }
0x6b: {  	[tilespmem:s5], [sflag:$0x1] =	stream.linear.gather [hbm4b:s11+s5], $0x50, $0x38;
	[tilespmem:$0x5180] =	vst v63  }
0x6c: {  	_ =	swait.ge [sflag:s22], $0x50  }
0x6d: {  	[sflag:s22] =	ssyncset.done $0x0  }
0x6e: {  	[sflag:s22] =	ssyncadd.s32 $0xFFFFFFB0  }
0x6f: {  	[spmem:s4] =	stream.indirect.scatter.add.f32 [tilespmem:s26], [sflag:$0x4], $0x10, s5, s25, $0xb8;
	[tilespmem:$0x5180] =	vst v63  }
0x70: {  	_ =	swait.ge [sflag:s28], $0x500  }
0x71: {  	[sflag:s28] =	ssyncset.done $0x0  }
0x72: {  	[sflag:s28] =	ssyncadd.s32 $0xFFFFFB00  }
0x73: {  	[tilespmem:s20], [sflag:$0x2] =	stream.linear.gather [hbm4b:s12+s5], $0x50, $0x38;
	[tilespmem:$0x5180] =	vst v63  }
0x74: {  	_ =	swait.ge [sflag:s23], $0x50  }
0x75: {  	[sflag:s23] =	ssyncset.done $0x0  }
0x76: {  	[sflag:s23] =	ssyncadd.s32 $0xFFFFFFB0  }
0x77: {  	[spmem:s4] =	stream.indirect.scatter.add.f32 [tilespmem:s26], [sflag:$0x5], $0x10, s20, s25, $0xb8;
	[tilespmem:$0x5180] =	vst v63  }
0x78: {  	_ =	swait.ge [sflag:s29], $0x500  }
0x79: {  	[sflag:s29] =	ssyncset.done $0x0  }
0x7a: {  	[sflag:s29] =	ssyncadd.s32 $0xFFFFFB00  }
0x7b: {  	_ =	swait.ge [sflag:s19], $0x500  }
0x7c: {  	[sflag:s19] =	ssyncset.done $0x0  }
0x7d: {  	[sflag:s19] =	ssyncadd.s32 $0xFFFFFB00  }
0x7e: {  	_ =	swait.ge [sflag:s28], $0x500  }
0x7f: {  	s31 =	sadd.s32 $0x1, s31;
	[sflag:s28] =	ssyncset.done $0x0  }
0x80: {  	p0 =	sne.s32 s31, s14;
	[sflag:s28] =	ssyncadd.s32 $0xFFFFFB00  }
.Ltmp2:
0x81: {  	s2 =	sor.u32 $0x1C07, s6;
	[bflag:$0x0] =	sbarrier.arrive $0xFFFF;
	(pc) =	sbr.rel @p0 .LBB2_1-.Ltmp2, $4  }
0x82: {  	[hbm:s13], [sflag:s2] =	dma.local [spmem:s18], $0x2800  }
0x83: {  	_ =	swait.ge [sflag:s30], $0x2800  }
0x84: {  	[sflag:s30] =	ssyncset.done $0x0  }
0x85: {  	[sflag:s30] =	ssyncadd.s32 $0xFFFFD800  }
0x86: {  	_ =	sfence.sel $0x180000  }
0x87: {  	[bflag:$0x0] =	sbarrier.arrive $0xFFFF  }
0x88: {  	_ =	strace $0x90000047  }
0x89: {  	s0 =	stileid.u32;
	[bflag:$0x2] =	sbarrier.arrive $0xFFFF  }
0x8a: {  	p0 =	sne.s32 s0, $0x0;
	s0 =	rddreg [dreg:$0x4]  }
0x8b: {  	s0 =	sadd.s32 @!p0 $0x100000, s0  }
0x8c: {  	[sflag:s0] =	ssyncadd.tile.s32 @!p0 $0x1;
	_ =	shalt  }
.Lfunc_end2:
_tile_overlayer_lowered:
.L_overlay_start_2:
0x8d: {  	(tag) =	ssettag $0x2  }
0x8e: {  	s0 =	rddreg [dreg:$0x0];
	s2 =	stileid.u32  }
0x8f: {  	s1 =	rddreg [dreg:$0x1];
	p0 =	sne.s32 s2, $0x0  }
0x90: {  	s3 =	rddreg [dreg:$0x2];
	[bflag:$0x3] =	sbarrier.arrive $0xFFFF;
	s2 =	simm.s32 @!p0 $0x1C07  }
0x91: {  	[timem:s3], [sflag:s2] =	dma.local @!p0 [hbm:s0], s1  }
0x92: {  	s0 =	simm.s32 @!p0 $0x7  }
0x93: {  	_ =	swait.ge @!p0 [sflag:s0], s1  }
0x94: {  	s1 =	ssub.s32 @!p0 $0x0, s1;
	[sflag:s0] =	ssyncset.done @!p0 $0x0  }
0x95: {  	[sflag:s0] =	ssyncadd.s32 @!p0 s1  }
0x96: {  	[bflag:$0x3] =	sbarrier.arrive $0xFFFF  }
0x97: {  	_ =	shalt  }

</sc_bundles>
